<compile_context>
chip_gen: v7x
topology: tpu7x:2x2x1
jax: 0.10.2.dev20260603
libtpu: 0.0.44.dev20260713+nightly
codegen_flags: <defaults>
</compile_context>

<pallas_src>
import jax
import jax.numpy as jnp
from jax import lax
from jax.experimental import pallas as pl
from jax.experimental.pallas import tpu as pltpu
from jax.experimental.pallas import tpu_sc as plsc

VOCAB = 1_000_000
D = 64
BATCH = 4096
HIST = 200
NC, NS = 2, 16
NW = NC * NS
ROWS_PW = BATCH // NW
S0, S1 = 104, 96
NBUF = 4
NCHUNK = 2 * ROWS_PW
GROUPS = NCHUNK // NBUF

_SIZE = (S0, S1)
_OFF = (0, S0)


def _body(x_hbm, table_hbm, out_hbm, idx_v, rows_v, gsem, osem):
    c = lax.axis_index("c")
    s = lax.axis_index("s")
    wid = s * NC + c
    b0 = wid * ROWS_PW
    pltpu.sync_copy(x_hbm.at[pl.ds(b0, ROWS_PW)], idx_v)

    def gather_desc(g, bank, b):
        j = g * (NBUF // 2) + (b >> 1)
        p = b & 1
        return pltpu.make_async_copy(
            table_hbm.at[idx_v.at[j, pl.ds(_OFF[p], _SIZE[p])]],
            rows_v.at[bank, b, pl.ds(0, _SIZE[p])],
            gsem.at[bank, b],
        )

    def write_desc(g, bank, b):
        j = g * (NBUF // 2) + (b >> 1)
        p = b & 1
        row0 = (b0 + j) * HIST + _OFF[p]
        return pltpu.make_async_copy(
            rows_v.at[bank, b, pl.ds(0, _SIZE[p])],
            out_hbm.at[pl.ds(row0, _SIZE[p]), pl.ds(0, D)],
            osem.at[bank, b],
        )

    for b in range(NBUF):
        gather_desc(0, 0, b).start()

    def pair(pp, carry):
        for h in range(2):
            g = 2 * pp + h
            bank = h
            for b in range(NBUF):

                @pl.when(g + 1 < GROUPS)
                def _():
                    @pl.when(g >= 1)
                    def _():
                        write_desc(g - 1, 1 - bank, b).wait()

                    gather_desc(g + 1, 1 - bank, b).start()

            for b in range(NBUF):
                gather_desc(g, bank, b).wait()
                write_desc(g, bank, b).start()
        return carry

    lax.fori_loop(0, GROUPS // 2, pair, 0)
    for b in range(NBUF):
        write_desc(GROUPS - 2, 0, b).wait()
        write_desc(GROUPS - 1, 1, b).wait()


@jax.jit
def kernel(x, table):
    mesh = plsc.VectorSubcoreMesh(
        core_axis_name="c", subcore_axis_name="s", num_cores=NC, num_subcores=NS
    )
    out128 = pl.kernel(
        _body,
        out_type=jax.ShapeDtypeStruct((BATCH * HIST, 2 * D), jnp.float32),
        mesh=mesh,
        scratch_types=[
            pltpu.VMEM((ROWS_PW, HIST), jnp.int32),
            pltpu.VMEM((2, NBUF, S0, D), jnp.float32),
            pltpu.SemaphoreType.DMA((2, NBUF)),
            pltpu.SemaphoreType.DMA((2, NBUF)),
        ],
        compiler_params=pltpu.CompilerParams(use_tc_tiling_on_sc=False),
    )(x, table)
    return out128[:, :D].reshape(BATCH, HIST, D)

# --- scband reference (transcript-rebuilt; emitter-appended) ---
"""Pipeline reference for scband-embedder-68659347194191 (READ-ONLY COPY).

The authoritative reference and input builder live on the scoring server;
editing this copy changes nothing except your own understanding.
"""

import jax, jax.numpy as jnp
import numpy as np

VOCAB = 1000000
D_MODEL = 64
BATCH = 4096
HIST = 200


def setup_inputs(seed: int = 0) -> dict:
    key = jax.random.key(seed)
    k_idx, k_tab = jax.random.split(key)
    x = jax.random.randint(k_idx, (BATCH, HIST), 0, VOCAB, dtype=jnp.int64 if jax.config.jax_enable_x64 else jnp.int32)
    table = jax.random.normal(k_tab, (VOCAB, D_MODEL), dtype=jnp.float32)
    return {"x": x, "table": table}


def reference(x, table):
    # nn.Embedding forward: gather rows of the table by index
    return jnp.take(table, x, axis=0)

if __name__ == "__main__":
    import jax
    _d = setup_inputs()
    print(jax.jit(kernel)(*tuple(_d.values())))

</pallas_src>

<mosaic_0001>
#map = affine_map<(d0, d1) -> (0, 0)>
module attributes {stable_mosaic.version = 14 : i64} {
  func.func @_body(%arg0: i32, %arg1: i32, %arg2: memref<4096x200xi32, #tpu.memory_space<hbm>>, %arg3: memref<1000000x64xf32, #tpu.memory_space<hbm>>, %arg4: memref<819200x128xf32, #tpu.memory_space<hbm>>, %arg5: memref<128x200xi32, #tpu.memory_space<vmem>>, %arg6: memref<2x4x104x64xf32, #tpu.memory_space<vmem>>, %arg7: memref<2x4x!tpu.dma_semaphore, #tpu.memory_space<semaphore_mem>>, %arg8: memref<2x4x!tpu.dma_semaphore, #tpu.memory_space<semaphore_mem>>) attributes {dimension_semantics = [#tpu.dimension_semantics<core_parallel>, #tpu.dimension_semantics<subcore_parallel>], iteration_bounds = array<i64: 2, 16>, scalar_prefetch = 0 : i64, scratch_operands = 4 : i64, tpu.core_type = #tpu.core_type<sc_vector_subcore>, window_params = [{transform_indices = #map}, {transform_indices = #map}, {transform_indices = #map}]} {
    %mul3A = arith.constant 2 : i32
    %mul3A_0 = arith.muli %arg1, %mul3A : i32
    %add3A = arith.addi %mul3A_0, %arg0 : i32
    %mul3A_1 = arith.constant 128 : i32
    %mul3A_2 = arith.muli %add3A, %mul3A_1 : i32
    "tpu.region"() ({
      %run_scoped3A = tpu.sem_alloc : memref<!tpu.dma_semaphore, #tpu.memory_space<semaphore_mem>>
      %dma_start3A_266 = arith.constant 0 : i32
      %dma_start3A_267 = tpu.memref_slice %arg2[%mul3A_2, %dma_start3A_266] : memref<4096x200xi32, #tpu.memory_space<hbm>> -> memref<128x200xi32, #tpu.memory_space<hbm>>
      %dma_start3A_268 = arith.constant 0 : i32
      %dma_start3A_269 = tpu.memref_slice %arg2[%mul3A_2, %dma_start3A_268] : memref<4096x200xi32, #tpu.memory_space<hbm>> -> memref<128x200xi32, #tpu.memory_space<hbm>>
      tpu.enqueue_dma source(%dma_start3A_269 : memref<128x200xi32, #tpu.memory_space<hbm>>) target(%arg5 : memref<128x200xi32, #tpu.memory_space<vmem>>) target_semaphore(%run_scoped3A : memref<!tpu.dma_semaphore, #tpu.memory_space<semaphore_mem>>)
      %dma_wait3A_270 = arith.constant 0 : i32
      %dma_wait3A_271 = tpu.memref_slice %arg2[%mul3A_2, %dma_wait3A_270] : memref<4096x200xi32, #tpu.memory_space<hbm>> -> memref<128x200xi32, #tpu.memory_space<hbm>>
      %dma_wait3A_272 = arith.constant 0 : i32
      %dma_wait3A_273 = tpu.memref_slice %arg2[%mul3A_2, %dma_wait3A_272] : memref<4096x200xi32, #tpu.memory_space<hbm>> -> memref<128x200xi32, #tpu.memory_space<hbm>>
      tpu.wait_dma2 semaphore(%run_scoped3A : memref<!tpu.dma_semaphore, #tpu.memory_space<semaphore_mem>>) src(%dma_wait3A_273 : memref<128x200xi32, #tpu.memory_space<hbm>>) dst(%arg5 : memref<128x200xi32, #tpu.memory_space<vmem>>)
      tpu.yield
    }) : () -> ()
    %dma_start3A = arith.constant 0 : i32
    %dma_start3A_3 = arith.constant 0 : i32
    %dma_start3A_4 = arith.constant 0 : i32
    %dma_start3A_5 = arith.constant 0 : i32
    %dma_start3A_6 = arith.constant 0 : i32
    %dma_start3A_7 = arith.constant 0 : i32
    %dma_start3A_8 = arith.constant 0 : i32
    %dma_start3A_9 = tpu.memref_slice %arg6[%dma_start3A_3, %dma_start3A_4, %dma_start3A_7, %dma_start3A_8] : memref<2x4x104x64xf32, #tpu.memory_space<vmem>> -> memref<1x1x104x64xf32, #tpu.memory_space<vmem>>
    %dma_start3A_10 = tpu.memref_squeeze %dma_start3A_9 : memref<1x1x104x64xf32, #tpu.memory_space<vmem>> -> memref<104x64xf32, #tpu.memory_space<vmem>>
    %dma_start3A_11 = arith.constant 0 : i32
    %dma_start3A_12 = tpu.memref_slice %arg5[%dma_start3A, %dma_start3A_11] : memref<128x200xi32, #tpu.memory_space<vmem>> -> memref<1x104xi32, #tpu.memory_space<vmem>>
    %dma_start3A_13 = tpu.memref_squeeze %dma_start3A_12 : memref<1x104xi32, #tpu.memory_space<vmem>> -> memref<104xi32, #tpu.memory_space<vmem>>
    %dma_start3A_14 = arith.constant 0 : i32
    %dma_start3A_15 = arith.constant 0 : i32
    %dma_start3A_16 = tpu.memref_slice %arg3[%dma_start3A_14, %dma_start3A_15] : memref<1000000x64xf32, #tpu.memory_space<hbm>> -> memref<1000000x64xf32, #tpu.memory_space<hbm>>
    %dma_start3A_17 = tpu.memref_slice %arg7[%dma_start3A_5, %dma_start3A_6] : memref<2x4x!tpu.dma_semaphore, #tpu.memory_space<semaphore_mem>> -> memref<1x1x!tpu.dma_semaphore, #tpu.memory_space<semaphore_mem>>
    %dma_start3A_18 = tpu.memref_squeeze %dma_start3A_17 : memref<1x1x!tpu.dma_semaphore, #tpu.memory_space<semaphore_mem>> -> memref<!tpu.dma_semaphore, #tpu.memory_space<semaphore_mem>>
    tpu.enqueue_indirect_dma source(%dma_start3A_16 : memref<1000000x64xf32, #tpu.memory_space<hbm>>) target(%dma_start3A_10 : memref<104x64xf32, #tpu.memory_space<vmem>>) offsets(%dma_start3A_13 : memref<104xi32, #tpu.memory_space<vmem>>) semaphore(%dma_start3A_18 : memref<!tpu.dma_semaphore, #tpu.memory_space<semaphore_mem>>)
    %dma_start3A_19 = arith.constant 0 : i32
    %dma_start3A_20 = arith.constant 0 : i32
    %dma_start3A_21 = arith.constant 1 : i32
    %dma_start3A_22 = arith.constant 0 : i32
    %dma_start3A_23 = arith.constant 1 : i32
    %dma_start3A_24 = arith.constant 0 : i32
    %dma_start3A_25 = arith.constant 0 : i32
    %dma_start3A_26 = tpu.memref_slice %arg6[%dma_start3A_20, %dma_start3A_21, %dma_start3A_24, %dma_start3A_25] : memref<2x4x104x64xf32, #tpu.memory_space<vmem>> -> memref<1x1x96x64xf32, #tpu.memory_space<vmem>>
    %dma_start3A_27 = tpu.memref_squeeze %dma_start3A_26 : memref<1x1x96x64xf32, #tpu.memory_space<vmem>> -> memref<96x64xf32, #tpu.memory_space<vmem>>
    %dma_start3A_28 = arith.constant 104 : i32
    %dma_start3A_29 = tpu.memref_slice %arg5[%dma_start3A_19, %dma_start3A_28] : memref<128x200xi32, #tpu.memory_space<vmem>> -> memref<1x96xi32, #tpu.memory_space<vmem>>
    %dma_start3A_30 = tpu.memref_squeeze %dma_start3A_29 : memref<1x96xi32, #tpu.memory_space<vmem>> -> memref<96xi32, #tpu.memory_space<vmem>>
    %dma_start3A_31 = arith.constant 0 : i32
    %dma_start3A_32 = arith.constant 0 : i32
    %dma_start3A_33 = tpu.memref_slice %arg3[%dma_start3A_31, %dma_start3A_32] : memref<1000000x64xf32, #tpu.memory_space<hbm>> -> memref<1000000x64xf32, #tpu.memory_space<hbm>>
    %dma_start3A_34 = tpu.memref_slice %arg7[%dma_start3A_22, %dma_start3A_23] : memref<2x4x!tpu.dma_semaphore, #tpu.memory_space<semaphore_mem>> -> memref<1x1x!tpu.dma_semaphore, #tpu.memory_space<semaphore_mem>>
    %dma_start3A_35 = tpu.memref_squeeze %dma_start3A_34 : memref<1x1x!tpu.dma_semaphore, #tpu.memory_space<semaphore_mem>> -> memref<!tpu.dma_semaphore, #tpu.memory_space<semaphore_mem>>
    tpu.enqueue_indirect_dma source(%dma_start3A_33 : memref<1000000x64xf32, #tpu.memory_space<hbm>>) target(%dma_start3A_27 : memref<96x64xf32, #tpu.memory_space<vmem>>) offsets(%dma_start3A_30 : memref<96xi32, #tpu.memory_space<vmem>>) semaphore(%dma_start3A_35 : memref<!tpu.dma_semaphore, #tpu.memory_space<semaphore_mem>>)
    %dma_start3A_36 = arith.constant 1 : i32
    %dma_start3A_37 = arith.constant 0 : i32
    %dma_start3A_38 = arith.constant 2 : i32
    %dma_start3A_39 = arith.constant 0 : i32
    %dma_start3A_40 = arith.constant 2 : i32
    %dma_start3A_41 = arith.constant 0 : i32
    %dma_start3A_42 = arith.constant 0 : i32
    %dma_start3A_43 = tpu.memref_slice %arg6[%dma_start3A_37, %dma_start3A_38, %dma_start3A_41, %dma_start3A_42] : memref<2x4x104x64xf32, #tpu.memory_space<vmem>> -> memref<1x1x104x64xf32, #tpu.memory_space<vmem>>
    %dma_start3A_44 = tpu.memref_squeeze %dma_start3A_43 : memref<1x1x104x64xf32, #tpu.memory_space<vmem>> -> memref<104x64xf32, #tpu.memory_space<vmem>>
    %dma_start3A_45 = arith.constant 0 : i32
    %dma_start3A_46 = tpu.memref_slice %arg5[%dma_start3A_36, %dma_start3A_45] : memref<128x200xi32, #tpu.memory_space<vmem>> -> memref<1x104xi32, #tpu.memory_space<vmem>>
    %dma_start3A_47 = tpu.memref_squeeze %dma_start3A_46 : memref<1x104xi32, #tpu.memory_space<vmem>> -> memref<104xi32, #tpu.memory_space<vmem>>
    %dma_start3A_48 = arith.constant 0 : i32
    %dma_start3A_49 = arith.constant 0 : i32
    %dma_start3A_50 = tpu.memref_slice %arg3[%dma_start3A_48, %dma_start3A_49] : memref<1000000x64xf32, #tpu.memory_space<hbm>> -> memref<1000000x64xf32, #tpu.memory_space<hbm>>
    %dma_start3A_51 = tpu.memref_slice %arg7[%dma_start3A_39, %dma_start3A_40] : memref<2x4x!tpu.dma_semaphore, #tpu.memory_space<semaphore_mem>> -> memref<1x1x!tpu.dma_semaphore, #tpu.memory_space<semaphore_mem>>
    %dma_start3A_52 = tpu.memref_squeeze %dma_start3A_51 : memref<1x1x!tpu.dma_semaphore, #tpu.memory_space<semaphore_mem>> -> memref<!tpu.dma_semaphore, #tpu.memory_space<semaphore_mem>>
    tpu.enqueue_indirect_dma source(%dma_start3A_50 : memref<1000000x64xf32, #tpu.memory_space<hbm>>) target(%dma_start3A_44 : memref<104x64xf32, #tpu.memory_space<vmem>>) offsets(%dma_start3A_47 : memref<104xi32, #tpu.memory_space<vmem>>) semaphore(%dma_start3A_52 : memref<!tpu.dma_semaphore, #tpu.memory_space<semaphore_mem>>)
    %dma_start3A_53 = arith.constant 1 : i32
    %dma_start3A_54 = arith.constant 0 : i32
    %dma_start3A_55 = arith.constant 3 : i32
    %dma_start3A_56 = arith.constant 0 : i32
    %dma_start3A_57 = arith.constant 3 : i32
    %dma_start3A_58 = arith.constant 0 : i32
    %dma_start3A_59 = arith.constant 0 : i32
    %dma_start3A_60 = tpu.memref_slice %arg6[%dma_start3A_54, %dma_start3A_55, %dma_start3A_58, %dma_start3A_59] : memref<2x4x104x64xf32, #tpu.memory_space<vmem>> -> memref<1x1x96x64xf32, #tpu.memory_space<vmem>>
    %dma_start3A_61 = tpu.memref_squeeze %dma_start3A_60 : memref<1x1x96x64xf32, #tpu.memory_space<vmem>> -> memref<96x64xf32, #tpu.memory_space<vmem>>
    %dma_start3A_62 = arith.constant 104 : i32
    %dma_start3A_63 = tpu.memref_slice %arg5[%dma_start3A_53, %dma_start3A_62] : memref<128x200xi32, #tpu.memory_space<vmem>> -> memref<1x96xi32, #tpu.memory_space<vmem>>
    %dma_start3A_64 = tpu.memref_squeeze %dma_start3A_63 : memref<1x96xi32, #tpu.memory_space<vmem>> -> memref<96xi32, #tpu.memory_space<vmem>>
    %dma_start3A_65 = arith.constant 0 : i32
    %dma_start3A_66 = arith.constant 0 : i32
    %dma_start3A_67 = tpu.memref_slice %arg3[%dma_start3A_65, %dma_start3A_66] : memref<1000000x64xf32, #tpu.memory_space<hbm>> -> memref<1000000x64xf32, #tpu.memory_space<hbm>>
    %dma_start3A_68 = tpu.memref_slice %arg7[%dma_start3A_56, %dma_start3A_57] : memref<2x4x!tpu.dma_semaphore, #tpu.memory_space<semaphore_mem>> -> memref<1x1x!tpu.dma_semaphore, #tpu.memory_space<semaphore_mem>>
    %dma_start3A_69 = tpu.memref_squeeze %dma_start3A_68 : memref<1x1x!tpu.dma_semaphore, #tpu.memory_space<semaphore_mem>> -> memref<!tpu.dma_semaphore, #tpu.memory_space<semaphore_mem>>
    tpu.enqueue_indirect_dma source(%dma_start3A_67 : memref<1000000x64xf32, #tpu.memory_space<hbm>>) target(%dma_start3A_61 : memref<96x64xf32, #tpu.memory_space<vmem>>) offsets(%dma_start3A_64 : memref<96xi32, #tpu.memory_space<vmem>>) semaphore(%dma_start3A_69 : memref<!tpu.dma_semaphore, #tpu.memory_space<semaphore_mem>>)
    %scan3A = arith.constant 0 : i32
    %scan3A_70 = arith.constant 0 : i32
    %scan3A_71 = arith.constant 32 : i32
    %scan3A_72 = arith.addi %scan3A_70, %scan3A_71 : i32
    %scan3A_73 = arith.constant 1 : i32
    scf.for %scan3A_266 = %scan3A_70 to %scan3A_72 step %scan3A_73  : i32 {
      %mul3A_267 = arith.constant 2 : i32
      %mul3A_268 = arith.muli %mul3A_267, %scan3A_266 : i32
      %add3A_269 = arith.constant 0 : i32
      %add3A_270 = arith.addi %mul3A_268, %add3A_269 : i32
      %add3A_271 = arith.constant 1 : i32
      %add3A_272 = arith.addi %add3A_270, %add3A_271 : i32
      %lt3A = arith.constant 64 : i32
      %lt3A_273 = arith.cmpi slt, %add3A_272, %lt3A : i32
      %convert_element_type3A = arith.extui %lt3A_273 : i1 to i32
      %cond3A = arith.constant 0 : i32
      %cond3A_274 = arith.cmpi ne, %convert_element_type3A, %cond3A : i32
      scf.if %cond3A_274 {
        %ge3A = arith.constant 1 : i32
        %ge3A_704 = arith.cmpi sge, %add3A_270, %ge3A : i32
        %convert_element_type3A_705 = arith.extui %ge3A_704 : i1 to i32
        %cond3A_706 = arith.constant 0 : i32
        %cond3A_707 = arith.cmpi ne, %convert_element_type3A_705, %cond3A_706 : i32
        scf.if %cond3A_707 {
          %sub3A = arith.constant 1 : i32
          %sub3A_730 = arith.subi %add3A_270, %sub3A : i32
          %mul3A_731 = arith.constant 2 : i32
          %mul3A_732 = arith.muli %sub3A_730, %mul3A_731 : i32
          %add3A_733 = arith.constant 0 : i32
          %add3A_734 = arith.addi %mul3A_732, %add3A_733 : i32
          %add3A_735 = arith.addi %mul3A_2, %add3A_734 : i32
          %mul3A_736 = arith.constant 200 : i32
          %mul3A_737 = arith.muli %add3A_735, %mul3A_736 : i32
          %add3A_738 = arith.constant 0 : i32
          %add3A_739 = arith.addi %mul3A_737, %add3A_738 : i32
          %dma_wait3A_740 = arith.constant 1 : i32
          %dma_wait3A_741 = arith.constant 0 : i32
          %dma_wait3A_742 = arith.constant 1 : i32
          %dma_wait3A_743 = arith.constant 0 : i32
          %dma_wait3A_744 = arith.constant 0 : i32
          %dma_wait3A_745 = arith.constant 0 : i32
          %dma_wait3A_746 = tpu.memref_slice %arg6[%dma_wait3A_740, %dma_wait3A_741, %dma_wait3A_744, %dma_wait3A_745] : memref<2x4x104x64xf32, #tpu.memory_space<vmem>> -> memref<1x1x104x64xf32, #tpu.memory_space<vmem>>
          %dma_wait3A_747 = tpu.memref_squeeze %dma_wait3A_746 : memref<1x1x104x64xf32, #tpu.memory_space<vmem>> -> memref<104x64xf32, #tpu.memory_space<vmem>>
          %dma_wait3A_748 = arith.constant 0 : i32
          %dma_wait3A_749 = tpu.memref_slice %arg4[%add3A_739, %dma_wait3A_748] : memref<819200x128xf32, #tpu.memory_space<hbm>> -> memref<104x64xf32, #tpu.memory_space<hbm>>
          %dma_wait3A_750 = tpu.memref_slice %arg8[%dma_wait3A_742, %dma_wait3A_743] : memref<2x4x!tpu.dma_semaphore, #tpu.memory_space<semaphore_mem>> -> memref<1x1x!tpu.dma_semaphore, #tpu.memory_space<semaphore_mem>>
          %dma_wait3A_751 = tpu.memref_squeeze %dma_wait3A_750 : memref<1x1x!tpu.dma_semaphore, #tpu.memory_space<semaphore_mem>> -> memref<!tpu.dma_semaphore, #tpu.memory_space<semaphore_mem>>
          %dma_wait3A_752 = arith.constant 0 : i32
          %dma_wait3A_753 = tpu.memref_slice %arg4[%add3A_739, %dma_wait3A_752] : memref<819200x128xf32, #tpu.memory_space<hbm>> -> memref<104x64xf32, #tpu.memory_space<hbm>>
          %dma_wait3A_754 = arith.constant 0 : i32
          %dma_wait3A_755 = arith.constant 0 : i32
          %dma_wait3A_756 = tpu.memref_slice %arg6[%dma_wait3A_740, %dma_wait3A_741, %dma_wait3A_754, %dma_wait3A_755] : memref<2x4x104x64xf32, #tpu.memory_space<vmem>> -> memref<1x1x104x64xf32, #tpu.memory_space<vmem>>
          %dma_wait3A_757 = tpu.memref_squeeze %dma_wait3A_756 : memref<1x1x104x64xf32, #tpu.memory_space<vmem>> -> memref<104x64xf32, #tpu.memory_space<vmem>>
          tpu.wait_dma2 semaphore(%dma_wait3A_751 : memref<!tpu.dma_semaphore, #tpu.memory_space<semaphore_mem>>) src(%dma_wait3A_757 : memref<104x64xf32, #tpu.memory_space<vmem>>) dst(%dma_wait3A_753 : memref<104x64xf32, #tpu.memory_space<hbm>>)
        } else {
        }
        %add3A_708 = arith.constant 1 : i32
        %add3A_709 = arith.addi %add3A_270, %add3A_708 : i32
        %mul3A_710 = arith.constant 2 : i32
        %mul3A_711 = arith.muli %add3A_709, %mul3A_710 : i32
        %add3A_712 = arith.constant 0 : i32
        %add3A_713 = arith.addi %mul3A_711, %add3A_712 : i32
        %dma_start3A_714 = arith.constant 1 : i32
        %dma_start3A_715 = arith.constant 0 : i32
        %dma_start3A_716 = arith.constant 1 : i32
        %dma_start3A_717 = arith.constant 0 : i32
        %dma_start3A_718 = arith.constant 0 : i32
        %dma_start3A_719 = arith.constant 0 : i32
        %dma_start3A_720 = tpu.memref_slice %arg6[%dma_start3A_714, %dma_start3A_715, %dma_start3A_718, %dma_start3A_719] : memref<2x4x104x64xf32, #tpu.memory_space<vmem>> -> memref<1x1x104x64xf32, #tpu.memory_space<vmem>>
        %dma_start3A_721 = tpu.memref_squeeze %dma_start3A_720 : memref<1x1x104x64xf32, #tpu.memory_space<vmem>> -> memref<104x64xf32, #tpu.memory_space<vmem>>
        %dma_start3A_722 = arith.constant 0 : i32
        %dma_start3A_723 = tpu.memref_slice %arg5[%add3A_713, %dma_start3A_722] : memref<128x200xi32, #tpu.memory_space<vmem>> -> memref<1x104xi32, #tpu.memory_space<vmem>>
        %dma_start3A_724 = tpu.memref_squeeze %dma_start3A_723 : memref<1x104xi32, #tpu.memory_space<vmem>> -> memref<104xi32, #tpu.memory_space<vmem>>
        %dma_start3A_725 = arith.constant 0 : i32
        %dma_start3A_726 = arith.constant 0 : i32
        %dma_start3A_727 = tpu.memref_slice %arg3[%dma_start3A_725, %dma_start3A_726] : memref<1000000x64xf32, #tpu.memory_space<hbm>> -> memref<1000000x64xf32, #tpu.memory_space<hbm>>
        %dma_start3A_728 = tpu.memref_slice %arg7[%dma_start3A_716, %dma_start3A_717] : memref<2x4x!tpu.dma_semaphore, #tpu.memory_space<semaphore_mem>> -> memref<1x1x!tpu.dma_semaphore, #tpu.memory_space<semaphore_mem>>
        %dma_start3A_729 = tpu.memref_squeeze %dma_start3A_728 : memref<1x1x!tpu.dma_semaphore, #tpu.memory_space<semaphore_mem>> -> memref<!tpu.dma_semaphore, #tpu.memory_space<semaphore_mem>>
        tpu.enqueue_indirect_dma source(%dma_start3A_727 : memref<1000000x64xf32, #tpu.memory_space<hbm>>) target(%dma_start3A_721 : memref<104x64xf32, #tpu.memory_space<vmem>>) offsets(%dma_start3A_724 : memref<104xi32, #tpu.memory_space<vmem>>) semaphore(%dma_start3A_729 : memref<!tpu.dma_semaphore, #tpu.memory_space<semaphore_mem>>)
      } else {
      }
      %add3A_275 = arith.constant 1 : i32
      %add3A_276 = arith.addi %add3A_270, %add3A_275 : i32
      %lt3A_277 = arith.constant 64 : i32
      %lt3A_278 = arith.cmpi slt, %add3A_276, %lt3A_277 : i32
      %convert_element_type3A_279 = arith.extui %lt3A_278 : i1 to i32
      %cond3A_280 = arith.constant 0 : i32
      %cond3A_281 = arith.cmpi ne, %convert_element_type3A_279, %cond3A_280 : i32
      scf.if %cond3A_281 {
        %ge3A = arith.constant 1 : i32
        %ge3A_704 = arith.cmpi sge, %add3A_270, %ge3A : i32
        %convert_element_type3A_705 = arith.extui %ge3A_704 : i1 to i32
        %cond3A_706 = arith.constant 0 : i32
        %cond3A_707 = arith.cmpi ne, %convert_element_type3A_705, %cond3A_706 : i32
        scf.if %cond3A_707 {
          %sub3A = arith.constant 1 : i32
          %sub3A_730 = arith.subi %add3A_270, %sub3A : i32
          %mul3A_731 = arith.constant 2 : i32
          %mul3A_732 = arith.muli %sub3A_730, %mul3A_731 : i32
          %add3A_733 = arith.constant 0 : i32
          %add3A_734 = arith.addi %mul3A_732, %add3A_733 : i32
          %add3A_735 = arith.addi %mul3A_2, %add3A_734 : i32
          %mul3A_736 = arith.constant 200 : i32
          %mul3A_737 = arith.muli %add3A_735, %mul3A_736 : i32
          %add3A_738 = arith.constant 104 : i32
          %add3A_739 = arith.addi %mul3A_737, %add3A_738 : i32
          %dma_wait3A_740 = arith.constant 1 : i32
          %dma_wait3A_741 = arith.constant 1 : i32
          %dma_wait3A_742 = arith.constant 1 : i32
          %dma_wait3A_743 = arith.constant 1 : i32
          %dma_wait3A_744 = arith.constant 0 : i32
          %dma_wait3A_745 = arith.constant 0 : i32
          %dma_wait3A_746 = tpu.memref_slice %arg6[%dma_wait3A_740, %dma_wait3A_741, %dma_wait3A_744, %dma_wait3A_745] : memref<2x4x104x64xf32, #tpu.memory_space<vmem>> -> memref<1x1x96x64xf32, #tpu.memory_space<vmem>>
          %dma_wait3A_747 = tpu.memref_squeeze %dma_wait3A_746 : memref<1x1x96x64xf32, #tpu.memory_space<vmem>> -> memref<96x64xf32, #tpu.memory_space<vmem>>
          %dma_wait3A_748 = arith.constant 0 : i32
          %dma_wait3A_749 = tpu.memref_slice %arg4[%add3A_739, %dma_wait3A_748] : memref<819200x128xf32, #tpu.memory_space<hbm>> -> memref<96x64xf32, #tpu.memory_space<hbm>>
          %dma_wait3A_750 = tpu.memref_slice %arg8[%dma_wait3A_742, %dma_wait3A_743] : memref<2x4x!tpu.dma_semaphore, #tpu.memory_space<semaphore_mem>> -> memref<1x1x!tpu.dma_semaphore, #tpu.memory_space<semaphore_mem>>
          %dma_wait3A_751 = tpu.memref_squeeze %dma_wait3A_750 : memref<1x1x!tpu.dma_semaphore, #tpu.memory_space<semaphore_mem>> -> memref<!tpu.dma_semaphore, #tpu.memory_space<semaphore_mem>>
          %dma_wait3A_752 = arith.constant 0 : i32
          %dma_wait3A_753 = tpu.memref_slice %arg4[%add3A_739, %dma_wait3A_752] : memref<819200x128xf32, #tpu.memory_space<hbm>> -> memref<96x64xf32, #tpu.memory_space<hbm>>
          %dma_wait3A_754 = arith.constant 0 : i32
          %dma_wait3A_755 = arith.constant 0 : i32
          %dma_wait3A_756 = tpu.memref_slice %arg6[%dma_wait3A_740, %dma_wait3A_741, %dma_wait3A_754, %dma_wait3A_755] : memref<2x4x104x64xf32, #tpu.memory_space<vmem>> -> memref<1x1x96x64xf32, #tpu.memory_space<vmem>>
          %dma_wait3A_757 = tpu.memref_squeeze %dma_wait3A_756 : memref<1x1x96x64xf32, #tpu.memory_space<vmem>> -> memref<96x64xf32, #tpu.memory_space<vmem>>
          tpu.wait_dma2 semaphore(%dma_wait3A_751 : memref<!tpu.dma_semaphore, #tpu.memory_space<semaphore_mem>>) src(%dma_wait3A_757 : memref<96x64xf32, #tpu.memory_space<vmem>>) dst(%dma_wait3A_753 : memref<96x64xf32, #tpu.memory_space<hbm>>)
        } else {
        }
        %add3A_708 = arith.constant 1 : i32
        %add3A_709 = arith.addi %add3A_270, %add3A_708 : i32
        %mul3A_710 = arith.constant 2 : i32
        %mul3A_711 = arith.muli %add3A_709, %mul3A_710 : i32
        %add3A_712 = arith.constant 0 : i32
        %add3A_713 = arith.addi %mul3A_711, %add3A_712 : i32
        %dma_start3A_714 = arith.constant 1 : i32
        %dma_start3A_715 = arith.constant 1 : i32
        %dma_start3A_716 = arith.constant 1 : i32
        %dma_start3A_717 = arith.constant 1 : i32
        %dma_start3A_718 = arith.constant 0 : i32
        %dma_start3A_719 = arith.constant 0 : i32
        %dma_start3A_720 = tpu.memref_slice %arg6[%dma_start3A_714, %dma_start3A_715, %dma_start3A_718, %dma_start3A_719] : memref<2x4x104x64xf32, #tpu.memory_space<vmem>> -> memref<1x1x96x64xf32, #tpu.memory_space<vmem>>
        %dma_start3A_721 = tpu.memref_squeeze %dma_start3A_720 : memref<1x1x96x64xf32, #tpu.memory_space<vmem>> -> memref<96x64xf32, #tpu.memory_space<vmem>>
        %dma_start3A_722 = arith.constant 104 : i32
        %dma_start3A_723 = tpu.memref_slice %arg5[%add3A_713, %dma_start3A_722] : memref<128x200xi32, #tpu.memory_space<vmem>> -> memref<1x96xi32, #tpu.memory_space<vmem>>
        %dma_start3A_724 = tpu.memref_squeeze %dma_start3A_723 : memref<1x96xi32, #tpu.memory_space<vmem>> -> memref<96xi32, #tpu.memory_space<vmem>>
        %dma_start3A_725 = arith.constant 0 : i32
        %dma_start3A_726 = arith.constant 0 : i32
        %dma_start3A_727 = tpu.memref_slice %arg3[%dma_start3A_725, %dma_start3A_726] : memref<1000000x64xf32, #tpu.memory_space<hbm>> -> memref<1000000x64xf32, #tpu.memory_space<hbm>>
        %dma_start3A_728 = tpu.memref_slice %arg7[%dma_start3A_716, %dma_start3A_717] : memref<2x4x!tpu.dma_semaphore, #tpu.memory_space<semaphore_mem>> -> memref<1x1x!tpu.dma_semaphore, #tpu.memory_space<semaphore_mem>>
        %dma_start3A_729 = tpu.memref_squeeze %dma_start3A_728 : memref<1x1x!tpu.dma_semaphore, #tpu.memory_space<semaphore_mem>> -> memref<!tpu.dma_semaphore, #tpu.memory_space<semaphore_mem>>
        tpu.enqueue_indirect_dma source(%dma_start3A_727 : memref<1000000x64xf32, #tpu.memory_space<hbm>>) target(%dma_start3A_721 : memref<96x64xf32, #tpu.memory_space<vmem>>) offsets(%dma_start3A_724 : memref<96xi32, #tpu.memory_space<vmem>>) semaphore(%dma_start3A_729 : memref<!tpu.dma_semaphore, #tpu.memory_space<semaphore_mem>>)
      } else {
      }
      %add3A_282 = arith.constant 1 : i32
      %add3A_283 = arith.addi %add3A_270, %add3A_282 : i32
      %lt3A_284 = arith.constant 64 : i32
      %lt3A_285 = arith.cmpi slt, %add3A_283, %lt3A_284 : i32
      %convert_element_type3A_286 = arith.extui %lt3A_285 : i1 to i32
      %cond3A_287 = arith.constant 0 : i32
      %cond3A_288 = arith.cmpi ne, %convert_element_type3A_286, %cond3A_287 : i32
      scf.if %cond3A_288 {
        %ge3A = arith.constant 1 : i32
        %ge3A_704 = arith.cmpi sge, %add3A_270, %ge3A : i32
        %convert_element_type3A_705 = arith.extui %ge3A_704 : i1 to i32
        %cond3A_706 = arith.constant 0 : i32
        %cond3A_707 = arith.cmpi ne, %convert_element_type3A_705, %cond3A_706 : i32
        scf.if %cond3A_707 {
          %sub3A = arith.constant 1 : i32
          %sub3A_730 = arith.subi %add3A_270, %sub3A : i32
          %mul3A_731 = arith.constant 2 : i32
          %mul3A_732 = arith.muli %sub3A_730, %mul3A_731 : i32
          %add3A_733 = arith.constant 1 : i32
          %add3A_734 = arith.addi %mul3A_732, %add3A_733 : i32
          %add3A_735 = arith.addi %mul3A_2, %add3A_734 : i32
          %mul3A_736 = arith.constant 200 : i32
          %mul3A_737 = arith.muli %add3A_735, %mul3A_736 : i32
          %add3A_738 = arith.constant 0 : i32
          %add3A_739 = arith.addi %mul3A_737, %add3A_738 : i32
          %dma_wait3A_740 = arith.constant 1 : i32
          %dma_wait3A_741 = arith.constant 2 : i32
          %dma_wait3A_742 = arith.constant 1 : i32
          %dma_wait3A_743 = arith.constant 2 : i32
          %dma_wait3A_744 = arith.constant 0 : i32
          %dma_wait3A_745 = arith.constant 0 : i32
          %dma_wait3A_746 = tpu.memref_slice %arg6[%dma_wait3A_740, %dma_wait3A_741, %dma_wait3A_744, %dma_wait3A_745] : memref<2x4x104x64xf32, #tpu.memory_space<vmem>> -> memref<1x1x104x64xf32, #tpu.memory_space<vmem>>
          %dma_wait3A_747 = tpu.memref_squeeze %dma_wait3A_746 : memref<1x1x104x64xf32, #tpu.memory_space<vmem>> -> memref<104x64xf32, #tpu.memory_space<vmem>>
          %dma_wait3A_748 = arith.constant 0 : i32
          %dma_wait3A_749 = tpu.memref_slice %arg4[%add3A_739, %dma_wait3A_748] : memref<819200x128xf32, #tpu.memory_space<hbm>> -> memref<104x64xf32, #tpu.memory_space<hbm>>
          %dma_wait3A_750 = tpu.memref_slice %arg8[%dma_wait3A_742, %dma_wait3A_743] : memref<2x4x!tpu.dma_semaphore, #tpu.memory_space<semaphore_mem>> -> memref<1x1x!tpu.dma_semaphore, #tpu.memory_space<semaphore_mem>>
          %dma_wait3A_751 = tpu.memref_squeeze %dma_wait3A_750 : memref<1x1x!tpu.dma_semaphore, #tpu.memory_space<semaphore_mem>> -> memref<!tpu.dma_semaphore, #tpu.memory_space<semaphore_mem>>
          %dma_wait3A_752 = arith.constant 0 : i32
          %dma_wait3A_753 = tpu.memref_slice %arg4[%add3A_739, %dma_wait3A_752] : memref<819200x128xf32, #tpu.memory_space<hbm>> -> memref<104x64xf32, #tpu.memory_space<hbm>>
          %dma_wait3A_754 = arith.constant 0 : i32
          %dma_wait3A_755 = arith.constant 0 : i32
          %dma_wait3A_756 = tpu.memref_slice %arg6[%dma_wait3A_740, %dma_wait3A_741, %dma_wait3A_754, %dma_wait3A_755] : memref<2x4x104x64xf32, #tpu.memory_space<vmem>> -> memref<1x1x104x64xf32, #tpu.memory_space<vmem>>
          %dma_wait3A_757 = tpu.memref_squeeze %dma_wait3A_756 : memref<1x1x104x64xf32, #tpu.memory_space<vmem>> -> memref<104x64xf32, #tpu.memory_space<vmem>>
          tpu.wait_dma2 semaphore(%dma_wait3A_751 : memref<!tpu.dma_semaphore, #tpu.memory_space<semaphore_mem>>) src(%dma_wait3A_757 : memref<104x64xf32, #tpu.memory_space<vmem>>) dst(%dma_wait3A_753 : memref<104x64xf32, #tpu.memory_space<hbm>>)
        } else {
        }
        %add3A_708 = arith.constant 1 : i32
        %add3A_709 = arith.addi %add3A_270, %add3A_708 : i32
        %mul3A_710 = arith.constant 2 : i32
        %mul3A_711 = arith.muli %add3A_709, %mul3A_710 : i32
        %add3A_712 = arith.constant 1 : i32
        %add3A_713 = arith.addi %mul3A_711, %add3A_712 : i32
        %dma_start3A_714 = arith.constant 1 : i32
        %dma_start3A_715 = arith.constant 2 : i32
        %dma_start3A_716 = arith.constant 1 : i32
        %dma_start3A_717 = arith.constant 2 : i32
        %dma_start3A_718 = arith.constant 0 : i32
        %dma_start3A_719 = arith.constant 0 : i32
        %dma_start3A_720 = tpu.memref_slice %arg6[%dma_start3A_714, %dma_start3A_715, %dma_start3A_718, %dma_start3A_719] : memref<2x4x104x64xf32, #tpu.memory_space<vmem>> -> memref<1x1x104x64xf32, #tpu.memory_space<vmem>>
        %dma_start3A_721 = tpu.memref_squeeze %dma_start3A_720 : memref<1x1x104x64xf32, #tpu.memory_space<vmem>> -> memref<104x64xf32, #tpu.memory_space<vmem>>
        %dma_start3A_722 = arith.constant 0 : i32
        %dma_start3A_723 = tpu.memref_slice %arg5[%add3A_713, %dma_start3A_722] : memref<128x200xi32, #tpu.memory_space<vmem>> -> memref<1x104xi32, #tpu.memory_space<vmem>>
        %dma_start3A_724 = tpu.memref_squeeze %dma_start3A_723 : memref<1x104xi32, #tpu.memory_space<vmem>> -> memref<104xi32, #tpu.memory_space<vmem>>
        %dma_start3A_725 = arith.constant 0 : i32
        %dma_start3A_726 = arith.constant 0 : i32
        %dma_start3A_727 = tpu.memref_slice %arg3[%dma_start3A_725, %dma_start3A_726] : memref<1000000x64xf32, #tpu.memory_space<hbm>> -> memref<1000000x64xf32, #tpu.memory_space<hbm>>
        %dma_start3A_728 = tpu.memref_slice %arg7[%dma_start3A_716, %dma_start3A_717] : memref<2x4x!tpu.dma_semaphore, #tpu.memory_space<semaphore_mem>> -> memref<1x1x!tpu.dma_semaphore, #tpu.memory_space<semaphore_mem>>
        %dma_start3A_729 = tpu.memref_squeeze %dma_start3A_728 : memref<1x1x!tpu.dma_semaphore, #tpu.memory_space<semaphore_mem>> -> memref<!tpu.dma_semaphore, #tpu.memory_space<semaphore_mem>>
        tpu.enqueue_indirect_dma source(%dma_start3A_727 : memref<1000000x64xf32, #tpu.memory_space<hbm>>) target(%dma_start3A_721 : memref<104x64xf32, #tpu.memory_space<vmem>>) offsets(%dma_start3A_724 : memref<104xi32, #tpu.memory_space<vmem>>) semaphore(%dma_start3A_729 : memref<!tpu.dma_semaphore, #tpu.memory_space<semaphore_mem>>)
      } else {
      }
      %add3A_289 = arith.constant 1 : i32
      %add3A_290 = arith.addi %add3A_270, %add3A_289 : i32
      %lt3A_291 = arith.constant 64 : i32
      %lt3A_292 = arith.cmpi slt, %add3A_290, %lt3A_291 : i32
      %convert_element_type3A_293 = arith.extui %lt3A_292 : i1 to i32
      %cond3A_294 = arith.constant 0 : i32
      %cond3A_295 = arith.cmpi ne, %convert_element_type3A_293, %cond3A_294 : i32
      scf.if %cond3A_295 {
        %ge3A = arith.constant 1 : i32
        %ge3A_704 = arith.cmpi sge, %add3A_270, %ge3A : i32
        %convert_element_type3A_705 = arith.extui %ge3A_704 : i1 to i32
        %cond3A_706 = arith.constant 0 : i32
        %cond3A_707 = arith.cmpi ne, %convert_element_type3A_705, %cond3A_706 : i32
        scf.if %cond3A_707 {
          %sub3A = arith.constant 1 : i32
          %sub3A_730 = arith.subi %add3A_270, %sub3A : i32
          %mul3A_731 = arith.constant 2 : i32
          %mul3A_732 = arith.muli %sub3A_730, %mul3A_731 : i32
          %add3A_733 = arith.constant 1 : i32
          %add3A_734 = arith.addi %mul3A_732, %add3A_733 : i32
          %add3A_735 = arith.addi %mul3A_2, %add3A_734 : i32
          %mul3A_736 = arith.constant 200 : i32
          %mul3A_737 = arith.muli %add3A_735, %mul3A_736 : i32
          %add3A_738 = arith.constant 104 : i32
          %add3A_739 = arith.addi %mul3A_737, %add3A_738 : i32
          %dma_wait3A_740 = arith.constant 1 : i32
          %dma_wait3A_741 = arith.constant 3 : i32
          %dma_wait3A_742 = arith.constant 1 : i32
          %dma_wait3A_743 = arith.constant 3 : i32
          %dma_wait3A_744 = arith.constant 0 : i32
          %dma_wait3A_745 = arith.constant 0 : i32
          %dma_wait3A_746 = tpu.memref_slice %arg6[%dma_wait3A_740, %dma_wait3A_741, %dma_wait3A_744, %dma_wait3A_745] : memref<2x4x104x64xf32, #tpu.memory_space<vmem>> -> memref<1x1x96x64xf32, #tpu.memory_space<vmem>>
          %dma_wait3A_747 = tpu.memref_squeeze %dma_wait3A_746 : memref<1x1x96x64xf32, #tpu.memory_space<vmem>> -> memref<96x64xf32, #tpu.memory_space<vmem>>
          %dma_wait3A_748 = arith.constant 0 : i32
          %dma_wait3A_749 = tpu.memref_slice %arg4[%add3A_739, %dma_wait3A_748] : memref<819200x128xf32, #tpu.memory_space<hbm>> -> memref<96x64xf32, #tpu.memory_space<hbm>>
          %dma_wait3A_750 = tpu.memref_slice %arg8[%dma_wait3A_742, %dma_wait3A_743] : memref<2x4x!tpu.dma_semaphore, #tpu.memory_space<semaphore_mem>> -> memref<1x1x!tpu.dma_semaphore, #tpu.memory_space<semaphore_mem>>
          %dma_wait3A_751 = tpu.memref_squeeze %dma_wait3A_750 : memref<1x1x!tpu.dma_semaphore, #tpu.memory_space<semaphore_mem>> -> memref<!tpu.dma_semaphore, #tpu.memory_space<semaphore_mem>>
          %dma_wait3A_752 = arith.constant 0 : i32
          %dma_wait3A_753 = tpu.memref_slice %arg4[%add3A_739, %dma_wait3A_752] : memref<819200x128xf32, #tpu.memory_space<hbm>> -> memref<96x64xf32, #tpu.memory_space<hbm>>
          %dma_wait3A_754 = arith.constant 0 : i32
          %dma_wait3A_755 = arith.constant 0 : i32
          %dma_wait3A_756 = tpu.memref_slice %arg6[%dma_wait3A_740, %dma_wait3A_741, %dma_wait3A_754, %dma_wait3A_755] : memref<2x4x104x64xf32, #tpu.memory_space<vmem>> -> memref<1x1x96x64xf32, #tpu.memory_space<vmem>>
          %dma_wait3A_757 = tpu.memref_squeeze %dma_wait3A_756 : memref<1x1x96x64xf32, #tpu.memory_space<vmem>> -> memref<96x64xf32, #tpu.memory_space<vmem>>
          tpu.wait_dma2 semaphore(%dma_wait3A_751 : memref<!tpu.dma_semaphore, #tpu.memory_space<semaphore_mem>>) src(%dma_wait3A_757 : memref<96x64xf32, #tpu.memory_space<vmem>>) dst(%dma_wait3A_753 : memref<96x64xf32, #tpu.memory_space<hbm>>)
        } else {
        }
        %add3A_708 = arith.constant 1 : i32
        %add3A_709 = arith.addi %add3A_270, %add3A_708 : i32
        %mul3A_710 = arith.constant 2 : i32
        %mul3A_711 = arith.muli %add3A_709, %mul3A_710 : i32
        %add3A_712 = arith.constant 1 : i32
        %add3A_713 = arith.addi %mul3A_711, %add3A_712 : i32
        %dma_start3A_714 = arith.constant 1 : i32
        %dma_start3A_715 = arith.constant 3 : i32
        %dma_start3A_716 = arith.constant 1 : i32
        %dma_start3A_717 = arith.constant 3 : i32
        %dma_start3A_718 = arith.constant 0 : i32
        %dma_start3A_719 = arith.constant 0 : i32
        %dma_start3A_720 = tpu.memref_slice %arg6[%dma_start3A_714, %dma_start3A_715, %dma_start3A_718, %dma_start3A_719] : memref<2x4x104x64xf32, #tpu.memory_space<vmem>> -> memref<1x1x96x64xf32, #tpu.memory_space<vmem>>
        %dma_start3A_721 = tpu.memref_squeeze %dma_start3A_720 : memref<1x1x96x64xf32, #tpu.memory_space<vmem>> -> memref<96x64xf32, #tpu.memory_space<vmem>>
        %dma_start3A_722 = arith.constant 104 : i32
        %dma_start3A_723 = tpu.memref_slice %arg5[%add3A_713, %dma_start3A_722] : memref<128x200xi32, #tpu.memory_space<vmem>> -> memref<1x96xi32, #tpu.memory_space<vmem>>
        %dma_start3A_724 = tpu.memref_squeeze %dma_start3A_723 : memref<1x96xi32, #tpu.memory_space<vmem>> -> memref<96xi32, #tpu.memory_space<vmem>>
        %dma_start3A_725 = arith.constant 0 : i32
        %dma_start3A_726 = arith.constant 0 : i32
        %dma_start3A_727 = tpu.memref_slice %arg3[%dma_start3A_725, %dma_start3A_726] : memref<1000000x64xf32, #tpu.memory_space<hbm>> -> memref<1000000x64xf32, #tpu.memory_space<hbm>>
        %dma_start3A_728 = tpu.memref_slice %arg7[%dma_start3A_716, %dma_start3A_717] : memref<2x4x!tpu.dma_semaphore, #tpu.memory_space<semaphore_mem>> -> memref<1x1x!tpu.dma_semaphore, #tpu.memory_space<semaphore_mem>>
        %dma_start3A_729 = tpu.memref_squeeze %dma_start3A_728 : memref<1x1x!tpu.dma_semaphore, #tpu.memory_space<semaphore_mem>> -> memref<!tpu.dma_semaphore, #tpu.memory_space<semaphore_mem>>
        tpu.enqueue_indirect_dma source(%dma_start3A_727 : memref<1000000x64xf32, #tpu.memory_space<hbm>>) target(%dma_start3A_721 : memref<96x64xf32, #tpu.memory_space<vmem>>) offsets(%dma_start3A_724 : memref<96xi32, #tpu.memory_space<vmem>>) semaphore(%dma_start3A_729 : memref<!tpu.dma_semaphore, #tpu.memory_space<semaphore_mem>>)
      } else {
      }
      %mul3A_296 = arith.constant 2 : i32
      %mul3A_297 = arith.muli %add3A_270, %mul3A_296 : i32
      %add3A_298 = arith.constant 0 : i32
      %add3A_299 = arith.addi %mul3A_297, %add3A_298 : i32
      %dma_wait3A_300 = arith.constant 0 : i32
      %dma_wait3A_301 = arith.constant 0 : i32
      %dma_wait3A_302 = arith.constant 0 : i32
      %dma_wait3A_303 = arith.constant 0 : i32
      %dma_wait3A_304 = arith.constant 0 : i32
      %dma_wait3A_305 = arith.constant 0 : i32
      %dma_wait3A_306 = tpu.memref_slice %arg6[%dma_wait3A_300, %dma_wait3A_301, %dma_wait3A_304, %dma_wait3A_305] : memref<2x4x104x64xf32, #tpu.memory_space<vmem>> -> memref<1x1x104x64xf32, #tpu.memory_space<vmem>>
      %dma_wait3A_307 = tpu.memref_squeeze %dma_wait3A_306 : memref<1x1x104x64xf32, #tpu.memory_space<vmem>> -> memref<104x64xf32, #tpu.memory_space<vmem>>
      %dma_wait3A_308 = arith.constant 0 : i32
      %dma_wait3A_309 = tpu.memref_slice %arg5[%add3A_299, %dma_wait3A_308] : memref<128x200xi32, #tpu.memory_space<vmem>> -> memref<1x104xi32, #tpu.memory_space<vmem>>
      %dma_wait3A_310 = tpu.memref_squeeze %dma_wait3A_309 : memref<1x104xi32, #tpu.memory_space<vmem>> -> memref<104xi32, #tpu.memory_space<vmem>>
      %dma_wait3A_311 = arith.constant 0 : i32
      %dma_wait3A_312 = arith.constant 0 : i32
      %dma_wait3A_313 = tpu.memref_slice %arg3[%dma_wait3A_311, %dma_wait3A_312] : memref<1000000x64xf32, #tpu.memory_space<hbm>> -> memref<1000000x64xf32, #tpu.memory_space<hbm>>
      %dma_wait3A_314 = tpu.memref_slice %arg7[%dma_wait3A_302, %dma_wait3A_303] : memref<2x4x!tpu.dma_semaphore, #tpu.memory_space<semaphore_mem>> -> memref<1x1x!tpu.dma_semaphore, #tpu.memory_space<semaphore_mem>>
      %dma_wait3A_315 = tpu.memref_squeeze %dma_wait3A_314 : memref<1x1x!tpu.dma_semaphore, #tpu.memory_space<semaphore_mem>> -> memref<!tpu.dma_semaphore, #tpu.memory_space<semaphore_mem>>
      tpu.wait_indirect_dma semaphore(%dma_wait3A_315 : memref<!tpu.dma_semaphore, #tpu.memory_space<semaphore_mem>>) src(%dma_wait3A_313 : memref<1000000x64xf32, #tpu.memory_space<hbm>>) dst(%dma_wait3A_307 : memref<104x64xf32, #tpu.memory_space<vmem>>)
      %mul3A_316 = arith.constant 2 : i32
      %mul3A_317 = arith.muli %add3A_270, %mul3A_316 : i32
      %add3A_318 = arith.constant 0 : i32
      %add3A_319 = arith.addi %mul3A_317, %add3A_318 : i32
      %add3A_320 = arith.addi %mul3A_2, %add3A_319 : i32
      %mul3A_321 = arith.constant 200 : i32
      %mul3A_322 = arith.muli %add3A_320, %mul3A_321 : i32
      %add3A_323 = arith.constant 0 : i32
      %add3A_324 = arith.addi %mul3A_322, %add3A_323 : i32
      %dma_start3A_325 = arith.constant 0 : i32
      %dma_start3A_326 = arith.constant 0 : i32
      %dma_start3A_327 = arith.constant 0 : i32
      %dma_start3A_328 = arith.constant 0 : i32
      %dma_start3A_329 = arith.constant 0 : i32
      %dma_start3A_330 = arith.constant 0 : i32
      %dma_start3A_331 = tpu.memref_slice %arg6[%dma_start3A_325, %dma_start3A_326, %dma_start3A_329, %dma_start3A_330] : memref<2x4x104x64xf32, #tpu.memory_space<vmem>> -> memref<1x1x104x64xf32, #tpu.memory_space<vmem>>
      %dma_start3A_332 = tpu.memref_squeeze %dma_start3A_331 : memref<1x1x104x64xf32, #tpu.memory_space<vmem>> -> memref<104x64xf32, #tpu.memory_space<vmem>>
      %dma_start3A_333 = arith.constant 0 : i32
      %dma_start3A_334 = tpu.memref_slice %arg4[%add3A_324, %dma_start3A_333] : memref<819200x128xf32, #tpu.memory_space<hbm>> -> memref<104x64xf32, #tpu.memory_space<hbm>>
      %dma_start3A_335 = tpu.memref_slice %arg8[%dma_start3A_327, %dma_start3A_328] : memref<2x4x!tpu.dma_semaphore, #tpu.memory_space<semaphore_mem>> -> memref<1x1x!tpu.dma_semaphore, #tpu.memory_space<semaphore_mem>>
      %dma_start3A_336 = tpu.memref_squeeze %dma_start3A_335 : memref<1x1x!tpu.dma_semaphore, #tpu.memory_space<semaphore_mem>> -> memref<!tpu.dma_semaphore, #tpu.memory_space<semaphore_mem>>
      %dma_start3A_337 = arith.constant 0 : i32
      %dma_start3A_338 = tpu.memref_slice %arg4[%add3A_324, %dma_start3A_337] : memref<819200x128xf32, #tpu.memory_space<hbm>> -> memref<104x64xf32, #tpu.memory_space<hbm>>
      %dma_start3A_339 = arith.constant 0 : i32
      %dma_start3A_340 = arith.constant 0 : i32
      %dma_start3A_341 = tpu.memref_slice %arg6[%dma_start3A_325, %dma_start3A_326, %dma_start3A_339, %dma_start3A_340] : memref<2x4x104x64xf32, #tpu.memory_space<vmem>> -> memref<1x1x104x64xf32, #tpu.memory_space<vmem>>
      %dma_start3A_342 = tpu.memref_squeeze %dma_start3A_341 : memref<1x1x104x64xf32, #tpu.memory_space<vmem>> -> memref<104x64xf32, #tpu.memory_space<vmem>>
      tpu.enqueue_dma source(%dma_start3A_342 : memref<104x64xf32, #tpu.memory_space<vmem>>) target(%dma_start3A_338 : memref<104x64xf32, #tpu.memory_space<hbm>>) target_semaphore(%dma_start3A_336 : memref<!tpu.dma_semaphore, #tpu.memory_space<semaphore_mem>>)
      %mul3A_343 = arith.constant 2 : i32
      %mul3A_344 = arith.muli %add3A_270, %mul3A_343 : i32
      %add3A_345 = arith.constant 0 : i32
      %add3A_346 = arith.addi %mul3A_344, %add3A_345 : i32
      %dma_wait3A_347 = arith.constant 0 : i32
      %dma_wait3A_348 = arith.constant 1 : i32
      %dma_wait3A_349 = arith.constant 0 : i32
      %dma_wait3A_350 = arith.constant 1 : i32
      %dma_wait3A_351 = arith.constant 0 : i32
      %dma_wait3A_352 = arith.constant 0 : i32
      %dma_wait3A_353 = tpu.memref_slice %arg6[%dma_wait3A_347, %dma_wait3A_348, %dma_wait3A_351, %dma_wait3A_352] : memref<2x4x104x64xf32, #tpu.memory_space<vmem>> -> memref<1x1x96x64xf32, #tpu.memory_space<vmem>>
      %dma_wait3A_354 = tpu.memref_squeeze %dma_wait3A_353 : memref<1x1x96x64xf32, #tpu.memory_space<vmem>> -> memref<96x64xf32, #tpu.memory_space<vmem>>
      %dma_wait3A_355 = arith.constant 104 : i32
      %dma_wait3A_356 = tpu.memref_slice %arg5[%add3A_346, %dma_wait3A_355] : memref<128x200xi32, #tpu.memory_space<vmem>> -> memref<1x96xi32, #tpu.memory_space<vmem>>
      %dma_wait3A_357 = tpu.memref_squeeze %dma_wait3A_356 : memref<1x96xi32, #tpu.memory_space<vmem>> -> memref<96xi32, #tpu.memory_space<vmem>>
      %dma_wait3A_358 = arith.constant 0 : i32
      %dma_wait3A_359 = arith.constant 0 : i32
      %dma_wait3A_360 = tpu.memref_slice %arg3[%dma_wait3A_358, %dma_wait3A_359] : memref<1000000x64xf32, #tpu.memory_space<hbm>> -> memref<1000000x64xf32, #tpu.memory_space<hbm>>
      %dma_wait3A_361 = tpu.memref_slice %arg7[%dma_wait3A_349, %dma_wait3A_350] : memref<2x4x!tpu.dma_semaphore, #tpu.memory_space<semaphore_mem>> -> memref<1x1x!tpu.dma_semaphore, #tpu.memory_space<semaphore_mem>>
      %dma_wait3A_362 = tpu.memref_squeeze %dma_wait3A_361 : memref<1x1x!tpu.dma_semaphore, #tpu.memory_space<semaphore_mem>> -> memref<!tpu.dma_semaphore, #tpu.memory_space<semaphore_mem>>
      tpu.wait_indirect_dma semaphore(%dma_wait3A_362 : memref<!tpu.dma_semaphore, #tpu.memory_space<semaphore_mem>>) src(%dma_wait3A_360 : memref<1000000x64xf32, #tpu.memory_space<hbm>>) dst(%dma_wait3A_354 : memref<96x64xf32, #tpu.memory_space<vmem>>)
      %mul3A_363 = arith.constant 2 : i32
      %mul3A_364 = arith.muli %add3A_270, %mul3A_363 : i32
      %add3A_365 = arith.constant 0 : i32
      %add3A_366 = arith.addi %mul3A_364, %add3A_365 : i32
      %add3A_367 = arith.addi %mul3A_2, %add3A_366 : i32
      %mul3A_368 = arith.constant 200 : i32
      %mul3A_369 = arith.muli %add3A_367, %mul3A_368 : i32
      %add3A_370 = arith.constant 104 : i32
      %add3A_371 = arith.addi %mul3A_369, %add3A_370 : i32
      %dma_start3A_372 = arith.constant 0 : i32
      %dma_start3A_373 = arith.constant 1 : i32
      %dma_start3A_374 = arith.constant 0 : i32
      %dma_start3A_375 = arith.constant 1 : i32
      %dma_start3A_376 = arith.constant 0 : i32
      %dma_start3A_377 = arith.constant 0 : i32
      %dma_start3A_378 = tpu.memref_slice %arg6[%dma_start3A_372, %dma_start3A_373, %dma_start3A_376, %dma_start3A_377] : memref<2x4x104x64xf32, #tpu.memory_space<vmem>> -> memref<1x1x96x64xf32, #tpu.memory_space<vmem>>
      %dma_start3A_379 = tpu.memref_squeeze %dma_start3A_378 : memref<1x1x96x64xf32, #tpu.memory_space<vmem>> -> memref<96x64xf32, #tpu.memory_space<vmem>>
      %dma_start3A_380 = arith.constant 0 : i32
      %dma_start3A_381 = tpu.memref_slice %arg4[%add3A_371, %dma_start3A_380] : memref<819200x128xf32, #tpu.memory_space<hbm>> -> memref<96x64xf32, #tpu.memory_space<hbm>>
      %dma_start3A_382 = tpu.memref_slice %arg8[%dma_start3A_374, %dma_start3A_375] : memref<2x4x!tpu.dma_semaphore, #tpu.memory_space<semaphore_mem>> -> memref<1x1x!tpu.dma_semaphore, #tpu.memory_space<semaphore_mem>>
      %dma_start3A_383 = tpu.memref_squeeze %dma_start3A_382 : memref<1x1x!tpu.dma_semaphore, #tpu.memory_space<semaphore_mem>> -> memref<!tpu.dma_semaphore, #tpu.memory_space<semaphore_mem>>
      %dma_start3A_384 = arith.constant 0 : i32
      %dma_start3A_385 = tpu.memref_slice %arg4[%add3A_371, %dma_start3A_384] : memref<819200x128xf32, #tpu.memory_space<hbm>> -> memref<96x64xf32, #tpu.memory_space<hbm>>
      %dma_start3A_386 = arith.constant 0 : i32
      %dma_start3A_387 = arith.constant 0 : i32
      %dma_start3A_388 = tpu.memref_slice %arg6[%dma_start3A_372, %dma_start3A_373, %dma_start3A_386, %dma_start3A_387] : memref<2x4x104x64xf32, #tpu.memory_space<vmem>> -> memref<1x1x96x64xf32, #tpu.memory_space<vmem>>
      %dma_start3A_389 = tpu.memref_squeeze %dma_start3A_388 : memref<1x1x96x64xf32, #tpu.memory_space<vmem>> -> memref<96x64xf32, #tpu.memory_space<vmem>>
      tpu.enqueue_dma source(%dma_start3A_389 : memref<96x64xf32, #tpu.memory_space<vmem>>) target(%dma_start3A_385 : memref<96x64xf32, #tpu.memory_space<hbm>>) target_semaphore(%dma_start3A_383 : memref<!tpu.dma_semaphore, #tpu.memory_space<semaphore_mem>>)
      %mul3A_390 = arith.constant 2 : i32
      %mul3A_391 = arith.muli %add3A_270, %mul3A_390 : i32
      %add3A_392 = arith.constant 1 : i32
      %add3A_393 = arith.addi %mul3A_391, %add3A_392 : i32
      %dma_wait3A_394 = arith.constant 0 : i32
      %dma_wait3A_395 = arith.constant 2 : i32
      %dma_wait3A_396 = arith.constant 0 : i32
      %dma_wait3A_397 = arith.constant 2 : i32
      %dma_wait3A_398 = arith.constant 0 : i32
      %dma_wait3A_399 = arith.constant 0 : i32
      %dma_wait3A_400 = tpu.memref_slice %arg6[%dma_wait3A_394, %dma_wait3A_395, %dma_wait3A_398, %dma_wait3A_399] : memref<2x4x104x64xf32, #tpu.memory_space<vmem>> -> memref<1x1x104x64xf32, #tpu.memory_space<vmem>>
      %dma_wait3A_401 = tpu.memref_squeeze %dma_wait3A_400 : memref<1x1x104x64xf32, #tpu.memory_space<vmem>> -> memref<104x64xf32, #tpu.memory_space<vmem>>
      %dma_wait3A_402 = arith.constant 0 : i32
      %dma_wait3A_403 = tpu.memref_slice %arg5[%add3A_393, %dma_wait3A_402] : memref<128x200xi32, #tpu.memory_space<vmem>> -> memref<1x104xi32, #tpu.memory_space<vmem>>
      %dma_wait3A_404 = tpu.memref_squeeze %dma_wait3A_403 : memref<1x104xi32, #tpu.memory_space<vmem>> -> memref<104xi32, #tpu.memory_space<vmem>>
      %dma_wait3A_405 = arith.constant 0 : i32
      %dma_wait3A_406 = arith.constant 0 : i32
      %dma_wait3A_407 = tpu.memref_slice %arg3[%dma_wait3A_405, %dma_wait3A_406] : memref<1000000x64xf32, #tpu.memory_space<hbm>> -> memref<1000000x64xf32, #tpu.memory_space<hbm>>
      %dma_wait3A_408 = tpu.memref_slice %arg7[%dma_wait3A_396, %dma_wait3A_397] : memref<2x4x!tpu.dma_semaphore, #tpu.memory_space<semaphore_mem>> -> memref<1x1x!tpu.dma_semaphore, #tpu.memory_space<semaphore_mem>>
      %dma_wait3A_409 = tpu.memref_squeeze %dma_wait3A_408 : memref<1x1x!tpu.dma_semaphore, #tpu.memory_space<semaphore_mem>> -> memref<!tpu.dma_semaphore, #tpu.memory_space<semaphore_mem>>
      tpu.wait_indirect_dma semaphore(%dma_wait3A_409 : memref<!tpu.dma_semaphore, #tpu.memory_space<semaphore_mem>>) src(%dma_wait3A_407 : memref<1000000x64xf32, #tpu.memory_space<hbm>>) dst(%dma_wait3A_401 : memref<104x64xf32, #tpu.memory_space<vmem>>)
      %mul3A_410 = arith.constant 2 : i32
      %mul3A_411 = arith.muli %add3A_270, %mul3A_410 : i32
      %add3A_412 = arith.constant 1 : i32
      %add3A_413 = arith.addi %mul3A_411, %add3A_412 : i32
      %add3A_414 = arith.addi %mul3A_2, %add3A_413 : i32
      %mul3A_415 = arith.constant 200 : i32
      %mul3A_416 = arith.muli %add3A_414, %mul3A_415 : i32
      %add3A_417 = arith.constant 0 : i32
      %add3A_418 = arith.addi %mul3A_416, %add3A_417 : i32
      %dma_start3A_419 = arith.constant 0 : i32
      %dma_start3A_420 = arith.constant 2 : i32
      %dma_start3A_421 = arith.constant 0 : i32
      %dma_start3A_422 = arith.constant 2 : i32
      %dma_start3A_423 = arith.constant 0 : i32
      %dma_start3A_424 = arith.constant 0 : i32
      %dma_start3A_425 = tpu.memref_slice %arg6[%dma_start3A_419, %dma_start3A_420, %dma_start3A_423, %dma_start3A_424] : memref<2x4x104x64xf32, #tpu.memory_space<vmem>> -> memref<1x1x104x64xf32, #tpu.memory_space<vmem>>
      %dma_start3A_426 = tpu.memref_squeeze %dma_start3A_425 : memref<1x1x104x64xf32, #tpu.memory_space<vmem>> -> memref<104x64xf32, #tpu.memory_space<vmem>>
      %dma_start3A_427 = arith.constant 0 : i32
      %dma_start3A_428 = tpu.memref_slice %arg4[%add3A_418, %dma_start3A_427] : memref<819200x128xf32, #tpu.memory_space<hbm>> -> memref<104x64xf32, #tpu.memory_space<hbm>>
      %dma_start3A_429 = tpu.memref_slice %arg8[%dma_start3A_421, %dma_start3A_422] : memref<2x4x!tpu.dma_semaphore, #tpu.memory_space<semaphore_mem>> -> memref<1x1x!tpu.dma_semaphore, #tpu.memory_space<semaphore_mem>>
      %dma_start3A_430 = tpu.memref_squeeze %dma_start3A_429 : memref<1x1x!tpu.dma_semaphore, #tpu.memory_space<semaphore_mem>> -> memref<!tpu.dma_semaphore, #tpu.memory_space<semaphore_mem>>
      %dma_start3A_431 = arith.constant 0 : i32
      %dma_start3A_432 = tpu.memref_slice %arg4[%add3A_418, %dma_start3A_431] : memref<819200x128xf32, #tpu.memory_space<hbm>> -> memref<104x64xf32, #tpu.memory_space<hbm>>
      %dma_start3A_433 = arith.constant 0 : i32
      %dma_start3A_434 = arith.constant 0 : i32
      %dma_start3A_435 = tpu.memref_slice %arg6[%dma_start3A_419, %dma_start3A_420, %dma_start3A_433, %dma_start3A_434] : memref<2x4x104x64xf32, #tpu.memory_space<vmem>> -> memref<1x1x104x64xf32, #tpu.memory_space<vmem>>
      %dma_start3A_436 = tpu.memref_squeeze %dma_start3A_435 : memref<1x1x104x64xf32, #tpu.memory_space<vmem>> -> memref<104x64xf32, #tpu.memory_space<vmem>>
      tpu.enqueue_dma source(%dma_start3A_436 : memref<104x64xf32, #tpu.memory_space<vmem>>) target(%dma_start3A_432 : memref<104x64xf32, #tpu.memory_space<hbm>>) target_semaphore(%dma_start3A_430 : memref<!tpu.dma_semaphore, #tpu.memory_space<semaphore_mem>>)
      %mul3A_437 = arith.constant 2 : i32
      %mul3A_438 = arith.muli %add3A_270, %mul3A_437 : i32
      %add3A_439 = arith.constant 1 : i32
      %add3A_440 = arith.addi %mul3A_438, %add3A_439 : i32
      %dma_wait3A_441 = arith.constant 0 : i32
      %dma_wait3A_442 = arith.constant 3 : i32
      %dma_wait3A_443 = arith.constant 0 : i32
      %dma_wait3A_444 = arith.constant 3 : i32
      %dma_wait3A_445 = arith.constant 0 : i32
      %dma_wait3A_446 = arith.constant 0 : i32
      %dma_wait3A_447 = tpu.memref_slice %arg6[%dma_wait3A_441, %dma_wait3A_442, %dma_wait3A_445, %dma_wait3A_446] : memref<2x4x104x64xf32, #tpu.memory_space<vmem>> -> memref<1x1x96x64xf32, #tpu.memory_space<vmem>>
      %dma_wait3A_448 = tpu.memref_squeeze %dma_wait3A_447 : memref<1x1x96x64xf32, #tpu.memory_space<vmem>> -> memref<96x64xf32, #tpu.memory_space<vmem>>
      %dma_wait3A_449 = arith.constant 104 : i32
      %dma_wait3A_450 = tpu.memref_slice %arg5[%add3A_440, %dma_wait3A_449] : memref<128x200xi32, #tpu.memory_space<vmem>> -> memref<1x96xi32, #tpu.memory_space<vmem>>
      %dma_wait3A_451 = tpu.memref_squeeze %dma_wait3A_450 : memref<1x96xi32, #tpu.memory_space<vmem>> -> memref<96xi32, #tpu.memory_space<vmem>>
      %dma_wait3A_452 = arith.constant 0 : i32
      %dma_wait3A_453 = arith.constant 0 : i32
      %dma_wait3A_454 = tpu.memref_slice %arg3[%dma_wait3A_452, %dma_wait3A_453] : memref<1000000x64xf32, #tpu.memory_space<hbm>> -> memref<1000000x64xf32, #tpu.memory_space<hbm>>
      %dma_wait3A_455 = tpu.memref_slice %arg7[%dma_wait3A_443, %dma_wait3A_444] : memref<2x4x!tpu.dma_semaphore, #tpu.memory_space<semaphore_mem>> -> memref<1x1x!tpu.dma_semaphore, #tpu.memory_space<semaphore_mem>>
      %dma_wait3A_456 = tpu.memref_squeeze %dma_wait3A_455 : memref<1x1x!tpu.dma_semaphore, #tpu.memory_space<semaphore_mem>> -> memref<!tpu.dma_semaphore, #tpu.memory_space<semaphore_mem>>
      tpu.wait_indirect_dma semaphore(%dma_wait3A_456 : memref<!tpu.dma_semaphore, #tpu.memory_space<semaphore_mem>>) src(%dma_wait3A_454 : memref<1000000x64xf32, #tpu.memory_space<hbm>>) dst(%dma_wait3A_448 : memref<96x64xf32, #tpu.memory_space<vmem>>)
      %mul3A_457 = arith.constant 2 : i32
      %mul3A_458 = arith.muli %add3A_270, %mul3A_457 : i32
      %add3A_459 = arith.constant 1 : i32
      %add3A_460 = arith.addi %mul3A_458, %add3A_459 : i32
      %add3A_461 = arith.addi %mul3A_2, %add3A_460 : i32
      %mul3A_462 = arith.constant 200 : i32
      %mul3A_463 = arith.muli %add3A_461, %mul3A_462 : i32
      %add3A_464 = arith.constant 104 : i32
      %add3A_465 = arith.addi %mul3A_463, %add3A_464 : i32
      %dma_start3A_466 = arith.constant 0 : i32
      %dma_start3A_467 = arith.constant 3 : i32
      %dma_start3A_468 = arith.constant 0 : i32
      %dma_start3A_469 = arith.constant 3 : i32
      %dma_start3A_470 = arith.constant 0 : i32
      %dma_start3A_471 = arith.constant 0 : i32
      %dma_start3A_472 = tpu.memref_slice %arg6[%dma_start3A_466, %dma_start3A_467, %dma_start3A_470, %dma_start3A_471] : memref<2x4x104x64xf32, #tpu.memory_space<vmem>> -> memref<1x1x96x64xf32, #tpu.memory_space<vmem>>
      %dma_start3A_473 = tpu.memref_squeeze %dma_start3A_472 : memref<1x1x96x64xf32, #tpu.memory_space<vmem>> -> memref<96x64xf32, #tpu.memory_space<vmem>>
      %dma_start3A_474 = arith.constant 0 : i32
      %dma_start3A_475 = tpu.memref_slice %arg4[%add3A_465, %dma_start3A_474] : memref<819200x128xf32, #tpu.memory_space<hbm>> -> memref<96x64xf32, #tpu.memory_space<hbm>>
      %dma_start3A_476 = tpu.memref_slice %arg8[%dma_start3A_468, %dma_start3A_469] : memref<2x4x!tpu.dma_semaphore, #tpu.memory_space<semaphore_mem>> -> memref<1x1x!tpu.dma_semaphore, #tpu.memory_space<semaphore_mem>>
      %dma_start3A_477 = tpu.memref_squeeze %dma_start3A_476 : memref<1x1x!tpu.dma_semaphore, #tpu.memory_space<semaphore_mem>> -> memref<!tpu.dma_semaphore, #tpu.memory_space<semaphore_mem>>
      %dma_start3A_478 = arith.constant 0 : i32
      %dma_start3A_479 = tpu.memref_slice %arg4[%add3A_465, %dma_start3A_478] : memref<819200x128xf32, #tpu.memory_space<hbm>> -> memref<96x64xf32, #tpu.memory_space<hbm>>
      %dma_start3A_480 = arith.constant 0 : i32
      %dma_start3A_481 = arith.constant 0 : i32
      %dma_start3A_482 = tpu.memref_slice %arg6[%dma_start3A_466, %dma_start3A_467, %dma_start3A_480, %dma_start3A_481] : memref<2x4x104x64xf32, #tpu.memory_space<vmem>> -> memref<1x1x96x64xf32, #tpu.memory_space<vmem>>
      %dma_start3A_483 = tpu.memref_squeeze %dma_start3A_482 : memref<1x1x96x64xf32, #tpu.memory_space<vmem>> -> memref<96x64xf32, #tpu.memory_space<vmem>>
      tpu.enqueue_dma source(%dma_start3A_483 : memref<96x64xf32, #tpu.memory_space<vmem>>) target(%dma_start3A_479 : memref<96x64xf32, #tpu.memory_space<hbm>>) target_semaphore(%dma_start3A_477 : memref<!tpu.dma_semaphore, #tpu.memory_space<semaphore_mem>>)
      %mul3A_484 = arith.constant 2 : i32
      %mul3A_485 = arith.muli %mul3A_484, %scan3A_266 : i32
      %add3A_486 = arith.constant 1 : i32
      %add3A_487 = arith.addi %mul3A_485, %add3A_486 : i32
      %add3A_488 = arith.constant 1 : i32
      %add3A_489 = arith.addi %add3A_487, %add3A_488 : i32
      %lt3A_490 = arith.constant 64 : i32
      %lt3A_491 = arith.cmpi slt, %add3A_489, %lt3A_490 : i32
      %convert_element_type3A_492 = arith.extui %lt3A_491 : i1 to i32
      %cond3A_493 = arith.constant 0 : i32
      %cond3A_494 = arith.cmpi ne, %convert_element_type3A_492, %cond3A_493 : i32
      scf.if %cond3A_494 {
        %ge3A = arith.constant 1 : i32
        %ge3A_704 = arith.cmpi sge, %add3A_487, %ge3A : i32
        %convert_element_type3A_705 = arith.extui %ge3A_704 : i1 to i32
        %cond3A_706 = arith.constant 0 : i32
        %cond3A_707 = arith.cmpi ne, %convert_element_type3A_705, %cond3A_706 : i32
        scf.if %cond3A_707 {
          %sub3A = arith.constant 1 : i32
          %sub3A_730 = arith.subi %add3A_487, %sub3A : i32
          %mul3A_731 = arith.constant 2 : i32
          %mul3A_732 = arith.muli %sub3A_730, %mul3A_731 : i32
          %add3A_733 = arith.constant 0 : i32
          %add3A_734 = arith.addi %mul3A_732, %add3A_733 : i32
          %add3A_735 = arith.addi %mul3A_2, %add3A_734 : i32
          %mul3A_736 = arith.constant 200 : i32
          %mul3A_737 = arith.muli %add3A_735, %mul3A_736 : i32
          %add3A_738 = arith.constant 0 : i32
          %add3A_739 = arith.addi %mul3A_737, %add3A_738 : i32
          %dma_wait3A_740 = arith.constant 0 : i32
          %dma_wait3A_741 = arith.constant 0 : i32
          %dma_wait3A_742 = arith.constant 0 : i32
          %dma_wait3A_743 = arith.constant 0 : i32
          %dma_wait3A_744 = arith.constant 0 : i32
          %dma_wait3A_745 = arith.constant 0 : i32
          %dma_wait3A_746 = tpu.memref_slice %arg6[%dma_wait3A_740, %dma_wait3A_741, %dma_wait3A_744, %dma_wait3A_745] : memref<2x4x104x64xf32, #tpu.memory_space<vmem>> -> memref<1x1x104x64xf32, #tpu.memory_space<vmem>>
          %dma_wait3A_747 = tpu.memref_squeeze %dma_wait3A_746 : memref<1x1x104x64xf32, #tpu.memory_space<vmem>> -> memref<104x64xf32, #tpu.memory_space<vmem>>
          %dma_wait3A_748 = arith.constant 0 : i32
          %dma_wait3A_749 = tpu.memref_slice %arg4[%add3A_739, %dma_wait3A_748] : memref<819200x128xf32, #tpu.memory_space<hbm>> -> memref<104x64xf32, #tpu.memory_space<hbm>>
          %dma_wait3A_750 = tpu.memref_slice %arg8[%dma_wait3A_742, %dma_wait3A_743] : memref<2x4x!tpu.dma_semaphore, #tpu.memory_space<semaphore_mem>> -> memref<1x1x!tpu.dma_semaphore, #tpu.memory_space<semaphore_mem>>
          %dma_wait3A_751 = tpu.memref_squeeze %dma_wait3A_750 : memref<1x1x!tpu.dma_semaphore, #tpu.memory_space<semaphore_mem>> -> memref<!tpu.dma_semaphore, #tpu.memory_space<semaphore_mem>>
          %dma_wait3A_752 = arith.constant 0 : i32
          %dma_wait3A_753 = tpu.memref_slice %arg4[%add3A_739, %dma_wait3A_752] : memref<819200x128xf32, #tpu.memory_space<hbm>> -> memref<104x64xf32, #tpu.memory_space<hbm>>
          %dma_wait3A_754 = arith.constant 0 : i32
          %dma_wait3A_755 = arith.constant 0 : i32
          %dma_wait3A_756 = tpu.memref_slice %arg6[%dma_wait3A_740, %dma_wait3A_741, %dma_wait3A_754, %dma_wait3A_755] : memref<2x4x104x64xf32, #tpu.memory_space<vmem>> -> memref<1x1x104x64xf32, #tpu.memory_space<vmem>>
          %dma_wait3A_757 = tpu.memref_squeeze %dma_wait3A_756 : memref<1x1x104x64xf32, #tpu.memory_space<vmem>> -> memref<104x64xf32, #tpu.memory_space<vmem>>
          tpu.wait_dma2 semaphore(%dma_wait3A_751 : memref<!tpu.dma_semaphore, #tpu.memory_space<semaphore_mem>>) src(%dma_wait3A_757 : memref<104x64xf32, #tpu.memory_space<vmem>>) dst(%dma_wait3A_753 : memref<104x64xf32, #tpu.memory_space<hbm>>)
        } else {
        }
        %add3A_708 = arith.constant 1 : i32
        %add3A_709 = arith.addi %add3A_487, %add3A_708 : i32
        %mul3A_710 = arith.constant 2 : i32
        %mul3A_711 = arith.muli %add3A_709, %mul3A_710 : i32
        %add3A_712 = arith.constant 0 : i32
        %add3A_713 = arith.addi %mul3A_711, %add3A_712 : i32
        %dma_start3A_714 = arith.constant 0 : i32
        %dma_start3A_715 = arith.constant 0 : i32
        %dma_start3A_716 = arith.constant 0 : i32
        %dma_start3A_717 = arith.constant 0 : i32
        %dma_start3A_718 = arith.constant 0 : i32
        %dma_start3A_719 = arith.constant 0 : i32
        %dma_start3A_720 = tpu.memref_slice %arg6[%dma_start3A_714, %dma_start3A_715, %dma_start3A_718, %dma_start3A_719] : memref<2x4x104x64xf32, #tpu.memory_space<vmem>> -> memref<1x1x104x64xf32, #tpu.memory_space<vmem>>
        %dma_start3A_721 = tpu.memref_squeeze %dma_start3A_720 : memref<1x1x104x64xf32, #tpu.memory_space<vmem>> -> memref<104x64xf32, #tpu.memory_space<vmem>>
        %dma_start3A_722 = arith.constant 0 : i32
        %dma_start3A_723 = tpu.memref_slice %arg5[%add3A_713, %dma_start3A_722] : memref<128x200xi32, #tpu.memory_space<vmem>> -> memref<1x104xi32, #tpu.memory_space<vmem>>
        %dma_start3A_724 = tpu.memref_squeeze %dma_start3A_723 : memref<1x104xi32, #tpu.memory_space<vmem>> -> memref<104xi32, #tpu.memory_space<vmem>>
        %dma_start3A_725 = arith.constant 0 : i32
        %dma_start3A_726 = arith.constant 0 : i32
        %dma_start3A_727 = tpu.memref_slice %arg3[%dma_start3A_725, %dma_start3A_726] : memref<1000000x64xf32, #tpu.memory_space<hbm>> -> memref<1000000x64xf32, #tpu.memory_space<hbm>>
        %dma_start3A_728 = tpu.memref_slice %arg7[%dma_start3A_716, %dma_start3A_717] : memref<2x4x!tpu.dma_semaphore, #tpu.memory_space<semaphore_mem>> -> memref<1x1x!tpu.dma_semaphore, #tpu.memory_space<semaphore_mem>>
        %dma_start3A_729 = tpu.memref_squeeze %dma_start3A_728 : memref<1x1x!tpu.dma_semaphore, #tpu.memory_space<semaphore_mem>> -> memref<!tpu.dma_semaphore, #tpu.memory_space<semaphore_mem>>
        tpu.enqueue_indirect_dma source(%dma_start3A_727 : memref<1000000x64xf32, #tpu.memory_space<hbm>>) target(%dma_start3A_721 : memref<104x64xf32, #tpu.memory_space<vmem>>) offsets(%dma_start3A_724 : memref<104xi32, #tpu.memory_space<vmem>>) semaphore(%dma_start3A_729 : memref<!tpu.dma_semaphore, #tpu.memory_space<semaphore_mem>>)
      } else {
      }
      %add3A_495 = arith.constant 1 : i32
      %add3A_496 = arith.addi %add3A_487, %add3A_495 : i32
      %lt3A_497 = arith.constant 64 : i32
      %lt3A_498 = arith.cmpi slt, %add3A_496, %lt3A_497 : i32
      %convert_element_type3A_499 = arith.extui %lt3A_498 : i1 to i32
      %cond3A_500 = arith.constant 0 : i32
      %cond3A_501 = arith.cmpi ne, %convert_element_type3A_499, %cond3A_500 : i32
      scf.if %cond3A_501 {
        %ge3A = arith.constant 1 : i32
        %ge3A_704 = arith.cmpi sge, %add3A_487, %ge3A : i32
        %convert_element_type3A_705 = arith.extui %ge3A_704 : i1 to i32
        %cond3A_706 = arith.constant 0 : i32
        %cond3A_707 = arith.cmpi ne, %convert_element_type3A_705, %cond3A_706 : i32
        scf.if %cond3A_707 {
          %sub3A = arith.constant 1 : i32
          %sub3A_730 = arith.subi %add3A_487, %sub3A : i32
          %mul3A_731 = arith.constant 2 : i32
          %mul3A_732 = arith.muli %sub3A_730, %mul3A_731 : i32
          %add3A_733 = arith.constant 0 : i32
          %add3A_734 = arith.addi %mul3A_732, %add3A_733 : i32
          %add3A_735 = arith.addi %mul3A_2, %add3A_734 : i32
          %mul3A_736 = arith.constant 200 : i32
          %mul3A_737 = arith.muli %add3A_735, %mul3A_736 : i32
          %add3A_738 = arith.constant 104 : i32
          %add3A_739 = arith.addi %mul3A_737, %add3A_738 : i32
          %dma_wait3A_740 = arith.constant 0 : i32
          %dma_wait3A_741 = arith.constant 1 : i32
          %dma_wait3A_742 = arith.constant 0 : i32
          %dma_wait3A_743 = arith.constant 1 : i32
          %dma_wait3A_744 = arith.constant 0 : i32
          %dma_wait3A_745 = arith.constant 0 : i32
          %dma_wait3A_746 = tpu.memref_slice %arg6[%dma_wait3A_740, %dma_wait3A_741, %dma_wait3A_744, %dma_wait3A_745] : memref<2x4x104x64xf32, #tpu.memory_space<vmem>> -> memref<1x1x96x64xf32, #tpu.memory_space<vmem>>
          %dma_wait3A_747 = tpu.memref_squeeze %dma_wait3A_746 : memref<1x1x96x64xf32, #tpu.memory_space<vmem>> -> memref<96x64xf32, #tpu.memory_space<vmem>>
          %dma_wait3A_748 = arith.constant 0 : i32
          %dma_wait3A_749 = tpu.memref_slice %arg4[%add3A_739, %dma_wait3A_748] : memref<819200x128xf32, #tpu.memory_space<hbm>> -> memref<96x64xf32, #tpu.memory_space<hbm>>
          %dma_wait3A_750 = tpu.memref_slice %arg8[%dma_wait3A_742, %dma_wait3A_743] : memref<2x4x!tpu.dma_semaphore, #tpu.memory_space<semaphore_mem>> -> memref<1x1x!tpu.dma_semaphore, #tpu.memory_space<semaphore_mem>>
          %dma_wait3A_751 = tpu.memref_squeeze %dma_wait3A_750 : memref<1x1x!tpu.dma_semaphore, #tpu.memory_space<semaphore_mem>> -> memref<!tpu.dma_semaphore, #tpu.memory_space<semaphore_mem>>
          %dma_wait3A_752 = arith.constant 0 : i32
          %dma_wait3A_753 = tpu.memref_slice %arg4[%add3A_739, %dma_wait3A_752] : memref<819200x128xf32, #tpu.memory_space<hbm>> -> memref<96x64xf32, #tpu.memory_space<hbm>>
          %dma_wait3A_754 = arith.constant 0 : i32
          %dma_wait3A_755 = arith.constant 0 : i32
          %dma_wait3A_756 = tpu.memref_slice %arg6[%dma_wait3A_740, %dma_wait3A_741, %dma_wait3A_754, %dma_wait3A_755] : memref<2x4x104x64xf32, #tpu.memory_space<vmem>> -> memref<1x1x96x64xf32, #tpu.memory_space<vmem>>
          %dma_wait3A_757 = tpu.memref_squeeze %dma_wait3A_756 : memref<1x1x96x64xf32, #tpu.memory_space<vmem>> -> memref<96x64xf32, #tpu.memory_space<vmem>>
          tpu.wait_dma2 semaphore(%dma_wait3A_751 : memref<!tpu.dma_semaphore, #tpu.memory_space<semaphore_mem>>) src(%dma_wait3A_757 : memref<96x64xf32, #tpu.memory_space<vmem>>) dst(%dma_wait3A_753 : memref<96x64xf32, #tpu.memory_space<hbm>>)
        } else {
        }
        %add3A_708 = arith.constant 1 : i32
        %add3A_709 = arith.addi %add3A_487, %add3A_708 : i32
        %mul3A_710 = arith.constant 2 : i32
        %mul3A_711 = arith.muli %add3A_709, %mul3A_710 : i32
        %add3A_712 = arith.constant 0 : i32
        %add3A_713 = arith.addi %mul3A_711, %add3A_712 : i32
        %dma_start3A_714 = arith.constant 0 : i32
        %dma_start3A_715 = arith.constant 1 : i32
        %dma_start3A_716 = arith.constant 0 : i32
        %dma_start3A_717 = arith.constant 1 : i32
        %dma_start3A_718 = arith.constant 0 : i32
        %dma_start3A_719 = arith.constant 0 : i32
        %dma_start3A_720 = tpu.memref_slice %arg6[%dma_start3A_714, %dma_start3A_715, %dma_start3A_718, %dma_start3A_719] : memref<2x4x104x64xf32, #tpu.memory_space<vmem>> -> memref<1x1x96x64xf32, #tpu.memory_space<vmem>>
        %dma_start3A_721 = tpu.memref_squeeze %dma_start3A_720 : memref<1x1x96x64xf32, #tpu.memory_space<vmem>> -> memref<96x64xf32, #tpu.memory_space<vmem>>
        %dma_start3A_722 = arith.constant 104 : i32
        %dma_start3A_723 = tpu.memref_slice %arg5[%add3A_713, %dma_start3A_722] : memref<128x200xi32, #tpu.memory_space<vmem>> -> memref<1x96xi32, #tpu.memory_space<vmem>>
        %dma_start3A_724 = tpu.memref_squeeze %dma_start3A_723 : memref<1x96xi32, #tpu.memory_space<vmem>> -> memref<96xi32, #tpu.memory_space<vmem>>
        %dma_start3A_725 = arith.constant 0 : i32
        %dma_start3A_726 = arith.constant 0 : i32
        %dma_start3A_727 = tpu.memref_slice %arg3[%dma_start3A_725, %dma_start3A_726] : memref<1000000x64xf32, #tpu.memory_space<hbm>> -> memref<1000000x64xf32, #tpu.memory_space<hbm>>
        %dma_start3A_728 = tpu.memref_slice %arg7[%dma_start3A_716, %dma_start3A_717] : memref<2x4x!tpu.dma_semaphore, #tpu.memory_space<semaphore_mem>> -> memref<1x1x!tpu.dma_semaphore, #tpu.memory_space<semaphore_mem>>
        %dma_start3A_729 = tpu.memref_squeeze %dma_start3A_728 : memref<1x1x!tpu.dma_semaphore, #tpu.memory_space<semaphore_mem>> -> memref<!tpu.dma_semaphore, #tpu.memory_space<semaphore_mem>>
        tpu.enqueue_indirect_dma source(%dma_start3A_727 : memref<1000000x64xf32, #tpu.memory_space<hbm>>) target(%dma_start3A_721 : memref<96x64xf32, #tpu.memory_space<vmem>>) offsets(%dma_start3A_724 : memref<96xi32, #tpu.memory_space<vmem>>) semaphore(%dma_start3A_729 : memref<!tpu.dma_semaphore, #tpu.memory_space<semaphore_mem>>)
      } else {
      }
      %add3A_502 = arith.constant 1 : i32
      %add3A_503 = arith.addi %add3A_487, %add3A_502 : i32
      %lt3A_504 = arith.constant 64 : i32
      %lt3A_505 = arith.cmpi slt, %add3A_503, %lt3A_504 : i32
      %convert_element_type3A_506 = arith.extui %lt3A_505 : i1 to i32
      %cond3A_507 = arith.constant 0 : i32
      %cond3A_508 = arith.cmpi ne, %convert_element_type3A_506, %cond3A_507 : i32
      scf.if %cond3A_508 {
        %ge3A = arith.constant 1 : i32
        %ge3A_704 = arith.cmpi sge, %add3A_487, %ge3A : i32
        %convert_element_type3A_705 = arith.extui %ge3A_704 : i1 to i32
        %cond3A_706 = arith.constant 0 : i32
        %cond3A_707 = arith.cmpi ne, %convert_element_type3A_705, %cond3A_706 : i32
        scf.if %cond3A_707 {
          %sub3A = arith.constant 1 : i32
          %sub3A_730 = arith.subi %add3A_487, %sub3A : i32
          %mul3A_731 = arith.constant 2 : i32
          %mul3A_732 = arith.muli %sub3A_730, %mul3A_731 : i32
          %add3A_733 = arith.constant 1 : i32
          %add3A_734 = arith.addi %mul3A_732, %add3A_733 : i32
          %add3A_735 = arith.addi %mul3A_2, %add3A_734 : i32
          %mul3A_736 = arith.constant 200 : i32
          %mul3A_737 = arith.muli %add3A_735, %mul3A_736 : i32
          %add3A_738 = arith.constant 0 : i32
          %add3A_739 = arith.addi %mul3A_737, %add3A_738 : i32
          %dma_wait3A_740 = arith.constant 0 : i32
          %dma_wait3A_741 = arith.constant 2 : i32
          %dma_wait3A_742 = arith.constant 0 : i32
          %dma_wait3A_743 = arith.constant 2 : i32
          %dma_wait3A_744 = arith.constant 0 : i32
          %dma_wait3A_745 = arith.constant 0 : i32
          %dma_wait3A_746 = tpu.memref_slice %arg6[%dma_wait3A_740, %dma_wait3A_741, %dma_wait3A_744, %dma_wait3A_745] : memref<2x4x104x64xf32, #tpu.memory_space<vmem>> -> memref<1x1x104x64xf32, #tpu.memory_space<vmem>>
          %dma_wait3A_747 = tpu.memref_squeeze %dma_wait3A_746 : memref<1x1x104x64xf32, #tpu.memory_space<vmem>> -> memref<104x64xf32, #tpu.memory_space<vmem>>
          %dma_wait3A_748 = arith.constant 0 : i32
          %dma_wait3A_749 = tpu.memref_slice %arg4[%add3A_739, %dma_wait3A_748] : memref<819200x128xf32, #tpu.memory_space<hbm>> -> memref<104x64xf32, #tpu.memory_space<hbm>>
          %dma_wait3A_750 = tpu.memref_slice %arg8[%dma_wait3A_742, %dma_wait3A_743] : memref<2x4x!tpu.dma_semaphore, #tpu.memory_space<semaphore_mem>> -> memref<1x1x!tpu.dma_semaphore, #tpu.memory_space<semaphore_mem>>
          %dma_wait3A_751 = tpu.memref_squeeze %dma_wait3A_750 : memref<1x1x!tpu.dma_semaphore, #tpu.memory_space<semaphore_mem>> -> memref<!tpu.dma_semaphore, #tpu.memory_space<semaphore_mem>>
          %dma_wait3A_752 = arith.constant 0 : i32
          %dma_wait3A_753 = tpu.memref_slice %arg4[%add3A_739, %dma_wait3A_752] : memref<819200x128xf32, #tpu.memory_space<hbm>> -> memref<104x64xf32, #tpu.memory_space<hbm>>
          %dma_wait3A_754 = arith.constant 0 : i32
          %dma_wait3A_755 = arith.constant 0 : i32
          %dma_wait3A_756 = tpu.memref_slice %arg6[%dma_wait3A_740, %dma_wait3A_741, %dma_wait3A_754, %dma_wait3A_755] : memref<2x4x104x64xf32, #tpu.memory_space<vmem>> -> memref<1x1x104x64xf32, #tpu.memory_space<vmem>>
          %dma_wait3A_757 = tpu.memref_squeeze %dma_wait3A_756 : memref<1x1x104x64xf32, #tpu.memory_space<vmem>> -> memref<104x64xf32, #tpu.memory_space<vmem>>
          tpu.wait_dma2 semaphore(%dma_wait3A_751 : memref<!tpu.dma_semaphore, #tpu.memory_space<semaphore_mem>>) src(%dma_wait3A_757 : memref<104x64xf32, #tpu.memory_space<vmem>>) dst(%dma_wait3A_753 : memref<104x64xf32, #tpu.memory_space<hbm>>)
        } else {
        }
        %add3A_708 = arith.constant 1 : i32
        %add3A_709 = arith.addi %add3A_487, %add3A_708 : i32
        %mul3A_710 = arith.constant 2 : i32
        %mul3A_711 = arith.muli %add3A_709, %mul3A_710 : i32
        %add3A_712 = arith.constant 1 : i32
        %add3A_713 = arith.addi %mul3A_711, %add3A_712 : i32
        %dma_start3A_714 = arith.constant 0 : i32
        %dma_start3A_715 = arith.constant 2 : i32
        %dma_start3A_716 = arith.constant 0 : i32
        %dma_start3A_717 = arith.constant 2 : i32
        %dma_start3A_718 = arith.constant 0 : i32
        %dma_start3A_719 = arith.constant 0 : i32
        %dma_start3A_720 = tpu.memref_slice %arg6[%dma_start3A_714, %dma_start3A_715, %dma_start3A_718, %dma_start3A_719] : memref<2x4x104x64xf32, #tpu.memory_space<vmem>> -> memref<1x1x104x64xf32, #tpu.memory_space<vmem>>
        %dma_start3A_721 = tpu.memref_squeeze %dma_start3A_720 : memref<1x1x104x64xf32, #tpu.memory_space<vmem>> -> memref<104x64xf32, #tpu.memory_space<vmem>>
        %dma_start3A_722 = arith.constant 0 : i32
        %dma_start3A_723 = tpu.memref_slice %arg5[%add3A_713, %dma_start3A_722] : memref<128x200xi32, #tpu.memory_space<vmem>> -> memref<1x104xi32, #tpu.memory_space<vmem>>
        %dma_start3A_724 = tpu.memref_squeeze %dma_start3A_723 : memref<1x104xi32, #tpu.memory_space<vmem>> -> memref<104xi32, #tpu.memory_space<vmem>>
        %dma_start3A_725 = arith.constant 0 : i32
        %dma_start3A_726 = arith.constant 0 : i32
        %dma_start3A_727 = tpu.memref_slice %arg3[%dma_start3A_725, %dma_start3A_726] : memref<1000000x64xf32, #tpu.memory_space<hbm>> -> memref<1000000x64xf32, #tpu.memory_space<hbm>>
        %dma_start3A_728 = tpu.memref_slice %arg7[%dma_start3A_716, %dma_start3A_717] : memref<2x4x!tpu.dma_semaphore, #tpu.memory_space<semaphore_mem>> -> memref<1x1x!tpu.dma_semaphore, #tpu.memory_space<semaphore_mem>>
        %dma_start3A_729 = tpu.memref_squeeze %dma_start3A_728 : memref<1x1x!tpu.dma_semaphore, #tpu.memory_space<semaphore_mem>> -> memref<!tpu.dma_semaphore, #tpu.memory_space<semaphore_mem>>
        tpu.enqueue_indirect_dma source(%dma_start3A_727 : memref<1000000x64xf32, #tpu.memory_space<hbm>>) target(%dma_start3A_721 : memref<104x64xf32, #tpu.memory_space<vmem>>) offsets(%dma_start3A_724 : memref<104xi32, #tpu.memory_space<vmem>>) semaphore(%dma_start3A_729 : memref<!tpu.dma_semaphore, #tpu.memory_space<semaphore_mem>>)
      } else {
      }
      %add3A_509 = arith.constant 1 : i32
      %add3A_510 = arith.addi %add3A_487, %add3A_509 : i32
      %lt3A_511 = arith.constant 64 : i32
      %lt3A_512 = arith.cmpi slt, %add3A_510, %lt3A_511 : i32
      %convert_element_type3A_513 = arith.extui %lt3A_512 : i1 to i32
      %cond3A_514 = arith.constant 0 : i32
      %cond3A_515 = arith.cmpi ne, %convert_element_type3A_513, %cond3A_514 : i32
      scf.if %cond3A_515 {
        %ge3A = arith.constant 1 : i32
        %ge3A_704 = arith.cmpi sge, %add3A_487, %ge3A : i32
        %convert_element_type3A_705 = arith.extui %ge3A_704 : i1 to i32
        %cond3A_706 = arith.constant 0 : i32
        %cond3A_707 = arith.cmpi ne, %convert_element_type3A_705, %cond3A_706 : i32
        scf.if %cond3A_707 {
          %sub3A = arith.constant 1 : i32
          %sub3A_730 = arith.subi %add3A_487, %sub3A : i32
          %mul3A_731 = arith.constant 2 : i32
          %mul3A_732 = arith.muli %sub3A_730, %mul3A_731 : i32
          %add3A_733 = arith.constant 1 : i32
          %add3A_734 = arith.addi %mul3A_732, %add3A_733 : i32
          %add3A_735 = arith.addi %mul3A_2, %add3A_734 : i32
          %mul3A_736 = arith.constant 200 : i32
          %mul3A_737 = arith.muli %add3A_735, %mul3A_736 : i32
          %add3A_738 = arith.constant 104 : i32
          %add3A_739 = arith.addi %mul3A_737, %add3A_738 : i32
          %dma_wait3A_740 = arith.constant 0 : i32
          %dma_wait3A_741 = arith.constant 3 : i32
          %dma_wait3A_742 = arith.constant 0 : i32
          %dma_wait3A_743 = arith.constant 3 : i32
          %dma_wait3A_744 = arith.constant 0 : i32
          %dma_wait3A_745 = arith.constant 0 : i32
          %dma_wait3A_746 = tpu.memref_slice %arg6[%dma_wait3A_740, %dma_wait3A_741, %dma_wait3A_744, %dma_wait3A_745] : memref<2x4x104x64xf32, #tpu.memory_space<vmem>> -> memref<1x1x96x64xf32, #tpu.memory_space<vmem>>
          %dma_wait3A_747 = tpu.memref_squeeze %dma_wait3A_746 : memref<1x1x96x64xf32, #tpu.memory_space<vmem>> -> memref<96x64xf32, #tpu.memory_space<vmem>>
          %dma_wait3A_748 = arith.constant 0 : i32
          %dma_wait3A_749 = tpu.memref_slice %arg4[%add3A_739, %dma_wait3A_748] : memref<819200x128xf32, #tpu.memory_space<hbm>> -> memref<96x64xf32, #tpu.memory_space<hbm>>
          %dma_wait3A_750 = tpu.memref_slice %arg8[%dma_wait3A_742, %dma_wait3A_743] : memref<2x4x!tpu.dma_semaphore, #tpu.memory_space<semaphore_mem>> -> memref<1x1x!tpu.dma_semaphore, #tpu.memory_space<semaphore_mem>>
          %dma_wait3A_751 = tpu.memref_squeeze %dma_wait3A_750 : memref<1x1x!tpu.dma_semaphore, #tpu.memory_space<semaphore_mem>> -> memref<!tpu.dma_semaphore, #tpu.memory_space<semaphore_mem>>
          %dma_wait3A_752 = arith.constant 0 : i32
          %dma_wait3A_753 = tpu.memref_slice %arg4[%add3A_739, %dma_wait3A_752] : memref<819200x128xf32, #tpu.memory_space<hbm>> -> memref<96x64xf32, #tpu.memory_space<hbm>>
          %dma_wait3A_754 = arith.constant 0 : i32
          %dma_wait3A_755 = arith.constant 0 : i32
          %dma_wait3A_756 = tpu.memref_slice %arg6[%dma_wait3A_740, %dma_wait3A_741, %dma_wait3A_754, %dma_wait3A_755] : memref<2x4x104x64xf32, #tpu.memory_space<vmem>> -> memref<1x1x96x64xf32, #tpu.memory_space<vmem>>
          %dma_wait3A_757 = tpu.memref_squeeze %dma_wait3A_756 : memref<1x1x96x64xf32, #tpu.memory_space<vmem>> -> memref<96x64xf32, #tpu.memory_space<vmem>>
          tpu.wait_dma2 semaphore(%dma_wait3A_751 : memref<!tpu.dma_semaphore, #tpu.memory_space<semaphore_mem>>) src(%dma_wait3A_757 : memref<96x64xf32, #tpu.memory_space<vmem>>) dst(%dma_wait3A_753 : memref<96x64xf32, #tpu.memory_space<hbm>>)
        } else {
        }
        %add3A_708 = arith.constant 1 : i32
        %add3A_709 = arith.addi %add3A_487, %add3A_708 : i32
        %mul3A_710 = arith.constant 2 : i32
        %mul3A_711 = arith.muli %add3A_709, %mul3A_710 : i32
        %add3A_712 = arith.constant 1 : i32
        %add3A_713 = arith.addi %mul3A_711, %add3A_712 : i32
        %dma_start3A_714 = arith.constant 0 : i32
        %dma_start3A_715 = arith.constant 3 : i32
        %dma_start3A_716 = arith.constant 0 : i32
        %dma_start3A_717 = arith.constant 3 : i32
        %dma_start3A_718 = arith.constant 0 : i32
        %dma_start3A_719 = arith.constant 0 : i32
        %dma_start3A_720 = tpu.memref_slice %arg6[%dma_start3A_714, %dma_start3A_715, %dma_start3A_718, %dma_start3A_719] : memref<2x4x104x64xf32, #tpu.memory_space<vmem>> -> memref<1x1x96x64xf32, #tpu.memory_space<vmem>>
        %dma_start3A_721 = tpu.memref_squeeze %dma_start3A_720 : memref<1x1x96x64xf32, #tpu.memory_space<vmem>> -> memref<96x64xf32, #tpu.memory_space<vmem>>
        %dma_start3A_722 = arith.constant 104 : i32
        %dma_start3A_723 = tpu.memref_slice %arg5[%add3A_713, %dma_start3A_722] : memref<128x200xi32, #tpu.memory_space<vmem>> -> memref<1x96xi32, #tpu.memory_space<vmem>>
        %dma_start3A_724 = tpu.memref_squeeze %dma_start3A_723 : memref<1x96xi32, #tpu.memory_space<vmem>> -> memref<96xi32, #tpu.memory_space<vmem>>
        %dma_start3A_725 = arith.constant 0 : i32
        %dma_start3A_726 = arith.constant 0 : i32
        %dma_start3A_727 = tpu.memref_slice %arg3[%dma_start3A_725, %dma_start3A_726] : memref<1000000x64xf32, #tpu.memory_space<hbm>> -> memref<1000000x64xf32, #tpu.memory_space<hbm>>
        %dma_start3A_728 = tpu.memref_slice %arg7[%dma_start3A_716, %dma_start3A_717] : memref<2x4x!tpu.dma_semaphore, #tpu.memory_space<semaphore_mem>> -> memref<1x1x!tpu.dma_semaphore, #tpu.memory_space<semaphore_mem>>
        %dma_start3A_729 = tpu.memref_squeeze %dma_start3A_728 : memref<1x1x!tpu.dma_semaphore, #tpu.memory_space<semaphore_mem>> -> memref<!tpu.dma_semaphore, #tpu.memory_space<semaphore_mem>>
        tpu.enqueue_indirect_dma source(%dma_start3A_727 : memref<1000000x64xf32, #tpu.memory_space<hbm>>) target(%dma_start3A_721 : memref<96x64xf32, #tpu.memory_space<vmem>>) offsets(%dma_start3A_724 : memref<96xi32, #tpu.memory_space<vmem>>) semaphore(%dma_start3A_729 : memref<!tpu.dma_semaphore, #tpu.memory_space<semaphore_mem>>)
      } else {
      }
      %mul3A_516 = arith.constant 2 : i32
      %mul3A_517 = arith.muli %add3A_487, %mul3A_516 : i32
      %add3A_518 = arith.constant 0 : i32
      %add3A_519 = arith.addi %mul3A_517, %add3A_518 : i32
      %dma_wait3A_520 = arith.constant 1 : i32
      %dma_wait3A_521 = arith.constant 0 : i32
      %dma_wait3A_522 = arith.constant 1 : i32
      %dma_wait3A_523 = arith.constant 0 : i32
      %dma_wait3A_524 = arith.constant 0 : i32
      %dma_wait3A_525 = arith.constant 0 : i32
      %dma_wait3A_526 = tpu.memref_slice %arg6[%dma_wait3A_520, %dma_wait3A_521, %dma_wait3A_524, %dma_wait3A_525] : memref<2x4x104x64xf32, #tpu.memory_space<vmem>> -> memref<1x1x104x64xf32, #tpu.memory_space<vmem>>
      %dma_wait3A_527 = tpu.memref_squeeze %dma_wait3A_526 : memref<1x1x104x64xf32, #tpu.memory_space<vmem>> -> memref<104x64xf32, #tpu.memory_space<vmem>>
      %dma_wait3A_528 = arith.constant 0 : i32
      %dma_wait3A_529 = tpu.memref_slice %arg5[%add3A_519, %dma_wait3A_528] : memref<128x200xi32, #tpu.memory_space<vmem>> -> memref<1x104xi32, #tpu.memory_space<vmem>>
      %dma_wait3A_530 = tpu.memref_squeeze %dma_wait3A_529 : memref<1x104xi32, #tpu.memory_space<vmem>> -> memref<104xi32, #tpu.memory_space<vmem>>
      %dma_wait3A_531 = arith.constant 0 : i32
      %dma_wait3A_532 = arith.constant 0 : i32
      %dma_wait3A_533 = tpu.memref_slice %arg3[%dma_wait3A_531, %dma_wait3A_532] : memref<1000000x64xf32, #tpu.memory_space<hbm>> -> memref<1000000x64xf32, #tpu.memory_space<hbm>>
      %dma_wait3A_534 = tpu.memref_slice %arg7[%dma_wait3A_522, %dma_wait3A_523] : memref<2x4x!tpu.dma_semaphore, #tpu.memory_space<semaphore_mem>> -> memref<1x1x!tpu.dma_semaphore, #tpu.memory_space<semaphore_mem>>
      %dma_wait3A_535 = tpu.memref_squeeze %dma_wait3A_534 : memref<1x1x!tpu.dma_semaphore, #tpu.memory_space<semaphore_mem>> -> memref<!tpu.dma_semaphore, #tpu.memory_space<semaphore_mem>>
      tpu.wait_indirect_dma semaphore(%dma_wait3A_535 : memref<!tpu.dma_semaphore, #tpu.memory_space<semaphore_mem>>) src(%dma_wait3A_533 : memref<1000000x64xf32, #tpu.memory_space<hbm>>) dst(%dma_wait3A_527 : memref<104x64xf32, #tpu.memory_space<vmem>>)
      %mul3A_536 = arith.constant 2 : i32
      %mul3A_537 = arith.muli %add3A_487, %mul3A_536 : i32
      %add3A_538 = arith.constant 0 : i32
      %add3A_539 = arith.addi %mul3A_537, %add3A_538 : i32
      %add3A_540 = arith.addi %mul3A_2, %add3A_539 : i32
      %mul3A_541 = arith.constant 200 : i32
      %mul3A_542 = arith.muli %add3A_540, %mul3A_541 : i32
      %add3A_543 = arith.constant 0 : i32
      %add3A_544 = arith.addi %mul3A_542, %add3A_543 : i32
      %dma_start3A_545 = arith.constant 1 : i32
      %dma_start3A_546 = arith.constant 0 : i32
      %dma_start3A_547 = arith.constant 1 : i32
      %dma_start3A_548 = arith.constant 0 : i32
      %dma_start3A_549 = arith.constant 0 : i32
      %dma_start3A_550 = arith.constant 0 : i32
      %dma_start3A_551 = tpu.memref_slice %arg6[%dma_start3A_545, %dma_start3A_546, %dma_start3A_549, %dma_start3A_550] : memref<2x4x104x64xf32, #tpu.memory_space<vmem>> -> memref<1x1x104x64xf32, #tpu.memory_space<vmem>>
      %dma_start3A_552 = tpu.memref_squeeze %dma_start3A_551 : memref<1x1x104x64xf32, #tpu.memory_space<vmem>> -> memref<104x64xf32, #tpu.memory_space<vmem>>
      %dma_start3A_553 = arith.constant 0 : i32
      %dma_start3A_554 = tpu.memref_slice %arg4[%add3A_544, %dma_start3A_553] : memref<819200x128xf32, #tpu.memory_space<hbm>> -> memref<104x64xf32, #tpu.memory_space<hbm>>
      %dma_start3A_555 = tpu.memref_slice %arg8[%dma_start3A_547, %dma_start3A_548] : memref<2x4x!tpu.dma_semaphore, #tpu.memory_space<semaphore_mem>> -> memref<1x1x!tpu.dma_semaphore, #tpu.memory_space<semaphore_mem>>
      %dma_start3A_556 = tpu.memref_squeeze %dma_start3A_555 : memref<1x1x!tpu.dma_semaphore, #tpu.memory_space<semaphore_mem>> -> memref<!tpu.dma_semaphore, #tpu.memory_space<semaphore_mem>>
      %dma_start3A_557 = arith.constant 0 : i32
      %dma_start3A_558 = tpu.memref_slice %arg4[%add3A_544, %dma_start3A_557] : memref<819200x128xf32, #tpu.memory_space<hbm>> -> memref<104x64xf32, #tpu.memory_space<hbm>>
      %dma_start3A_559 = arith.constant 0 : i32
      %dma_start3A_560 = arith.constant 0 : i32
      %dma_start3A_561 = tpu.memref_slice %arg6[%dma_start3A_545, %dma_start3A_546, %dma_start3A_559, %dma_start3A_560] : memref<2x4x104x64xf32, #tpu.memory_space<vmem>> -> memref<1x1x104x64xf32, #tpu.memory_space<vmem>>
      %dma_start3A_562 = tpu.memref_squeeze %dma_start3A_561 : memref<1x1x104x64xf32, #tpu.memory_space<vmem>> -> memref<104x64xf32, #tpu.memory_space<vmem>>
      tpu.enqueue_dma source(%dma_start3A_562 : memref<104x64xf32, #tpu.memory_space<vmem>>) target(%dma_start3A_558 : memref<104x64xf32, #tpu.memory_space<hbm>>) target_semaphore(%dma_start3A_556 : memref<!tpu.dma_semaphore, #tpu.memory_space<semaphore_mem>>)
      %mul3A_563 = arith.constant 2 : i32
      %mul3A_564 = arith.muli %add3A_487, %mul3A_563 : i32
      %add3A_565 = arith.constant 0 : i32
      %add3A_566 = arith.addi %mul3A_564, %add3A_565 : i32
      %dma_wait3A_567 = arith.constant 1 : i32
      %dma_wait3A_568 = arith.constant 1 : i32
      %dma_wait3A_569 = arith.constant 1 : i32
      %dma_wait3A_570 = arith.constant 1 : i32
      %dma_wait3A_571 = arith.constant 0 : i32
      %dma_wait3A_572 = arith.constant 0 : i32
      %dma_wait3A_573 = tpu.memref_slice %arg6[%dma_wait3A_567, %dma_wait3A_568, %dma_wait3A_571, %dma_wait3A_572] : memref<2x4x104x64xf32, #tpu.memory_space<vmem>> -> memref<1x1x96x64xf32, #tpu.memory_space<vmem>>
      %dma_wait3A_574 = tpu.memref_squeeze %dma_wait3A_573 : memref<1x1x96x64xf32, #tpu.memory_space<vmem>> -> memref<96x64xf32, #tpu.memory_space<vmem>>
      %dma_wait3A_575 = arith.constant 104 : i32
      %dma_wait3A_576 = tpu.memref_slice %arg5[%add3A_566, %dma_wait3A_575] : memref<128x200xi32, #tpu.memory_space<vmem>> -> memref<1x96xi32, #tpu.memory_space<vmem>>
      %dma_wait3A_577 = tpu.memref_squeeze %dma_wait3A_576 : memref<1x96xi32, #tpu.memory_space<vmem>> -> memref<96xi32, #tpu.memory_space<vmem>>
      %dma_wait3A_578 = arith.constant 0 : i32
      %dma_wait3A_579 = arith.constant 0 : i32
      %dma_wait3A_580 = tpu.memref_slice %arg3[%dma_wait3A_578, %dma_wait3A_579] : memref<1000000x64xf32, #tpu.memory_space<hbm>> -> memref<1000000x64xf32, #tpu.memory_space<hbm>>
      %dma_wait3A_581 = tpu.memref_slice %arg7[%dma_wait3A_569, %dma_wait3A_570] : memref<2x4x!tpu.dma_semaphore, #tpu.memory_space<semaphore_mem>> -> memref<1x1x!tpu.dma_semaphore, #tpu.memory_space<semaphore_mem>>
      %dma_wait3A_582 = tpu.memref_squeeze %dma_wait3A_581 : memref<1x1x!tpu.dma_semaphore, #tpu.memory_space<semaphore_mem>> -> memref<!tpu.dma_semaphore, #tpu.memory_space<semaphore_mem>>
      tpu.wait_indirect_dma semaphore(%dma_wait3A_582 : memref<!tpu.dma_semaphore, #tpu.memory_space<semaphore_mem>>) src(%dma_wait3A_580 : memref<1000000x64xf32, #tpu.memory_space<hbm>>) dst(%dma_wait3A_574 : memref<96x64xf32, #tpu.memory_space<vmem>>)
      %mul3A_583 = arith.constant 2 : i32
      %mul3A_584 = arith.muli %add3A_487, %mul3A_583 : i32
      %add3A_585 = arith.constant 0 : i32
      %add3A_586 = arith.addi %mul3A_584, %add3A_585 : i32
      %add3A_587 = arith.addi %mul3A_2, %add3A_586 : i32
      %mul3A_588 = arith.constant 200 : i32
      %mul3A_589 = arith.muli %add3A_587, %mul3A_588 : i32
      %add3A_590 = arith.constant 104 : i32
      %add3A_591 = arith.addi %mul3A_589, %add3A_590 : i32
      %dma_start3A_592 = arith.constant 1 : i32
      %dma_start3A_593 = arith.constant 1 : i32
      %dma_start3A_594 = arith.constant 1 : i32
      %dma_start3A_595 = arith.constant 1 : i32
      %dma_start3A_596 = arith.constant 0 : i32
      %dma_start3A_597 = arith.constant 0 : i32
      %dma_start3A_598 = tpu.memref_slice %arg6[%dma_start3A_592, %dma_start3A_593, %dma_start3A_596, %dma_start3A_597] : memref<2x4x104x64xf32, #tpu.memory_space<vmem>> -> memref<1x1x96x64xf32, #tpu.memory_space<vmem>>
      %dma_start3A_599 = tpu.memref_squeeze %dma_start3A_598 : memref<1x1x96x64xf32, #tpu.memory_space<vmem>> -> memref<96x64xf32, #tpu.memory_space<vmem>>
      %dma_start3A_600 = arith.constant 0 : i32
      %dma_start3A_601 = tpu.memref_slice %arg4[%add3A_591, %dma_start3A_600] : memref<819200x128xf32, #tpu.memory_space<hbm>> -> memref<96x64xf32, #tpu.memory_space<hbm>>
      %dma_start3A_602 = tpu.memref_slice %arg8[%dma_start3A_594, %dma_start3A_595] : memref<2x4x!tpu.dma_semaphore, #tpu.memory_space<semaphore_mem>> -> memref<1x1x!tpu.dma_semaphore, #tpu.memory_space<semaphore_mem>>
      %dma_start3A_603 = tpu.memref_squeeze %dma_start3A_602 : memref<1x1x!tpu.dma_semaphore, #tpu.memory_space<semaphore_mem>> -> memref<!tpu.dma_semaphore, #tpu.memory_space<semaphore_mem>>
      %dma_start3A_604 = arith.constant 0 : i32
      %dma_start3A_605 = tpu.memref_slice %arg4[%add3A_591, %dma_start3A_604] : memref<819200x128xf32, #tpu.memory_space<hbm>> -> memref<96x64xf32, #tpu.memory_space<hbm>>
      %dma_start3A_606 = arith.constant 0 : i32
      %dma_start3A_607 = arith.constant 0 : i32
      %dma_start3A_608 = tpu.memref_slice %arg6[%dma_start3A_592, %dma_start3A_593, %dma_start3A_606, %dma_start3A_607] : memref<2x4x104x64xf32, #tpu.memory_space<vmem>> -> memref<1x1x96x64xf32, #tpu.memory_space<vmem>>
      %dma_start3A_609 = tpu.memref_squeeze %dma_start3A_608 : memref<1x1x96x64xf32, #tpu.memory_space<vmem>> -> memref<96x64xf32, #tpu.memory_space<vmem>>
      tpu.enqueue_dma source(%dma_start3A_609 : memref<96x64xf32, #tpu.memory_space<vmem>>) target(%dma_start3A_605 : memref<96x64xf32, #tpu.memory_space<hbm>>) target_semaphore(%dma_start3A_603 : memref<!tpu.dma_semaphore, #tpu.memory_space<semaphore_mem>>)
      %mul3A_610 = arith.constant 2 : i32
      %mul3A_611 = arith.muli %add3A_487, %mul3A_610 : i32
      %add3A_612 = arith.constant 1 : i32
      %add3A_613 = arith.addi %mul3A_611, %add3A_612 : i32
      %dma_wait3A_614 = arith.constant 1 : i32
      %dma_wait3A_615 = arith.constant 2 : i32
      %dma_wait3A_616 = arith.constant 1 : i32
      %dma_wait3A_617 = arith.constant 2 : i32
      %dma_wait3A_618 = arith.constant 0 : i32
      %dma_wait3A_619 = arith.constant 0 : i32
      %dma_wait3A_620 = tpu.memref_slice %arg6[%dma_wait3A_614, %dma_wait3A_615, %dma_wait3A_618, %dma_wait3A_619] : memref<2x4x104x64xf32, #tpu.memory_space<vmem>> -> memref<1x1x104x64xf32, #tpu.memory_space<vmem>>
      %dma_wait3A_621 = tpu.memref_squeeze %dma_wait3A_620 : memref<1x1x104x64xf32, #tpu.memory_space<vmem>> -> memref<104x64xf32, #tpu.memory_space<vmem>>
      %dma_wait3A_622 = arith.constant 0 : i32
      %dma_wait3A_623 = tpu.memref_slice %arg5[%add3A_613, %dma_wait3A_622] : memref<128x200xi32, #tpu.memory_space<vmem>> -> memref<1x104xi32, #tpu.memory_space<vmem>>
      %dma_wait3A_624 = tpu.memref_squeeze %dma_wait3A_623 : memref<1x104xi32, #tpu.memory_space<vmem>> -> memref<104xi32, #tpu.memory_space<vmem>>
      %dma_wait3A_625 = arith.constant 0 : i32
      %dma_wait3A_626 = arith.constant 0 : i32
      %dma_wait3A_627 = tpu.memref_slice %arg3[%dma_wait3A_625, %dma_wait3A_626] : memref<1000000x64xf32, #tpu.memory_space<hbm>> -> memref<1000000x64xf32, #tpu.memory_space<hbm>>
      %dma_wait3A_628 = tpu.memref_slice %arg7[%dma_wait3A_616, %dma_wait3A_617] : memref<2x4x!tpu.dma_semaphore, #tpu.memory_space<semaphore_mem>> -> memref<1x1x!tpu.dma_semaphore, #tpu.memory_space<semaphore_mem>>
      %dma_wait3A_629 = tpu.memref_squeeze %dma_wait3A_628 : memref<1x1x!tpu.dma_semaphore, #tpu.memory_space<semaphore_mem>> -> memref<!tpu.dma_semaphore, #tpu.memory_space<semaphore_mem>>
      tpu.wait_indirect_dma semaphore(%dma_wait3A_629 : memref<!tpu.dma_semaphore, #tpu.memory_space<semaphore_mem>>) src(%dma_wait3A_627 : memref<1000000x64xf32, #tpu.memory_space<hbm>>) dst(%dma_wait3A_621 : memref<104x64xf32, #tpu.memory_space<vmem>>)
      %mul3A_630 = arith.constant 2 : i32
      %mul3A_631 = arith.muli %add3A_487, %mul3A_630 : i32
      %add3A_632 = arith.constant 1 : i32
      %add3A_633 = arith.addi %mul3A_631, %add3A_632 : i32
      %add3A_634 = arith.addi %mul3A_2, %add3A_633 : i32
      %mul3A_635 = arith.constant 200 : i32
      %mul3A_636 = arith.muli %add3A_634, %mul3A_635 : i32
      %add3A_637 = arith.constant 0 : i32
      %add3A_638 = arith.addi %mul3A_636, %add3A_637 : i32
      %dma_start3A_639 = arith.constant 1 : i32
      %dma_start3A_640 = arith.constant 2 : i32
      %dma_start3A_641 = arith.constant 1 : i32
      %dma_start3A_642 = arith.constant 2 : i32
      %dma_start3A_643 = arith.constant 0 : i32
      %dma_start3A_644 = arith.constant 0 : i32
      %dma_start3A_645 = tpu.memref_slice %arg6[%dma_start3A_639, %dma_start3A_640, %dma_start3A_643, %dma_start3A_644] : memref<2x4x104x64xf32, #tpu.memory_space<vmem>> -> memref<1x1x104x64xf32, #tpu.memory_space<vmem>>
      %dma_start3A_646 = tpu.memref_squeeze %dma_start3A_645 : memref<1x1x104x64xf32, #tpu.memory_space<vmem>> -> memref<104x64xf32, #tpu.memory_space<vmem>>
      %dma_start3A_647 = arith.constant 0 : i32
      %dma_start3A_648 = tpu.memref_slice %arg4[%add3A_638, %dma_start3A_647] : memref<819200x128xf32, #tpu.memory_space<hbm>> -> memref<104x64xf32, #tpu.memory_space<hbm>>
      %dma_start3A_649 = tpu.memref_slice %arg8[%dma_start3A_641, %dma_start3A_642] : memref<2x4x!tpu.dma_semaphore, #tpu.memory_space<semaphore_mem>> -> memref<1x1x!tpu.dma_semaphore, #tpu.memory_space<semaphore_mem>>
      %dma_start3A_650 = tpu.memref_squeeze %dma_start3A_649 : memref<1x1x!tpu.dma_semaphore, #tpu.memory_space<semaphore_mem>> -> memref<!tpu.dma_semaphore, #tpu.memory_space<semaphore_mem>>
      %dma_start3A_651 = arith.constant 0 : i32
      %dma_start3A_652 = tpu.memref_slice %arg4[%add3A_638, %dma_start3A_651] : memref<819200x128xf32, #tpu.memory_space<hbm>> -> memref<104x64xf32, #tpu.memory_space<hbm>>
      %dma_start3A_653 = arith.constant 0 : i32
      %dma_start3A_654 = arith.constant 0 : i32
      %dma_start3A_655 = tpu.memref_slice %arg6[%dma_start3A_639, %dma_start3A_640, %dma_start3A_653, %dma_start3A_654] : memref<2x4x104x64xf32, #tpu.memory_space<vmem>> -> memref<1x1x104x64xf32, #tpu.memory_space<vmem>>
      %dma_start3A_656 = tpu.memref_squeeze %dma_start3A_655 : memref<1x1x104x64xf32, #tpu.memory_space<vmem>> -> memref<104x64xf32, #tpu.memory_space<vmem>>
      tpu.enqueue_dma source(%dma_start3A_656 : memref<104x64xf32, #tpu.memory_space<vmem>>) target(%dma_start3A_652 : memref<104x64xf32, #tpu.memory_space<hbm>>) target_semaphore(%dma_start3A_650 : memref<!tpu.dma_semaphore, #tpu.memory_space<semaphore_mem>>)
      %mul3A_657 = arith.constant 2 : i32
      %mul3A_658 = arith.muli %add3A_487, %mul3A_657 : i32
      %add3A_659 = arith.constant 1 : i32
      %add3A_660 = arith.addi %mul3A_658, %add3A_659 : i32
      %dma_wait3A_661 = arith.constant 1 : i32
      %dma_wait3A_662 = arith.constant 3 : i32
      %dma_wait3A_663 = arith.constant 1 : i32
      %dma_wait3A_664 = arith.constant 3 : i32
      %dma_wait3A_665 = arith.constant 0 : i32
      %dma_wait3A_666 = arith.constant 0 : i32
      %dma_wait3A_667 = tpu.memref_slice %arg6[%dma_wait3A_661, %dma_wait3A_662, %dma_wait3A_665, %dma_wait3A_666] : memref<2x4x104x64xf32, #tpu.memory_space<vmem>> -> memref<1x1x96x64xf32, #tpu.memory_space<vmem>>
      %dma_wait3A_668 = tpu.memref_squeeze %dma_wait3A_667 : memref<1x1x96x64xf32, #tpu.memory_space<vmem>> -> memref<96x64xf32, #tpu.memory_space<vmem>>
      %dma_wait3A_669 = arith.constant 104 : i32
      %dma_wait3A_670 = tpu.memref_slice %arg5[%add3A_660, %dma_wait3A_669] : memref<128x200xi32, #tpu.memory_space<vmem>> -> memref<1x96xi32, #tpu.memory_space<vmem>>
      %dma_wait3A_671 = tpu.memref_squeeze %dma_wait3A_670 : memref<1x96xi32, #tpu.memory_space<vmem>> -> memref<96xi32, #tpu.memory_space<vmem>>
      %dma_wait3A_672 = arith.constant 0 : i32
      %dma_wait3A_673 = arith.constant 0 : i32
      %dma_wait3A_674 = tpu.memref_slice %arg3[%dma_wait3A_672, %dma_wait3A_673] : memref<1000000x64xf32, #tpu.memory_space<hbm>> -> memref<1000000x64xf32, #tpu.memory_space<hbm>>
      %dma_wait3A_675 = tpu.memref_slice %arg7[%dma_wait3A_663, %dma_wait3A_664] : memref<2x4x!tpu.dma_semaphore, #tpu.memory_space<semaphore_mem>> -> memref<1x1x!tpu.dma_semaphore, #tpu.memory_space<semaphore_mem>>
      %dma_wait3A_676 = tpu.memref_squeeze %dma_wait3A_675 : memref<1x1x!tpu.dma_semaphore, #tpu.memory_space<semaphore_mem>> -> memref<!tpu.dma_semaphore, #tpu.memory_space<semaphore_mem>>
      tpu.wait_indirect_dma semaphore(%dma_wait3A_676 : memref<!tpu.dma_semaphore, #tpu.memory_space<semaphore_mem>>) src(%dma_wait3A_674 : memref<1000000x64xf32, #tpu.memory_space<hbm>>) dst(%dma_wait3A_668 : memref<96x64xf32, #tpu.memory_space<vmem>>)
      %mul3A_677 = arith.constant 2 : i32
      %mul3A_678 = arith.muli %add3A_487, %mul3A_677 : i32
      %add3A_679 = arith.constant 1 : i32
      %add3A_680 = arith.addi %mul3A_678, %add3A_679 : i32
      %add3A_681 = arith.addi %mul3A_2, %add3A_680 : i32
      %mul3A_682 = arith.constant 200 : i32
      %mul3A_683 = arith.muli %add3A_681, %mul3A_682 : i32
      %add3A_684 = arith.constant 104 : i32
      %add3A_685 = arith.addi %mul3A_683, %add3A_684 : i32
      %dma_start3A_686 = arith.constant 1 : i32
      %dma_start3A_687 = arith.constant 3 : i32
      %dma_start3A_688 = arith.constant 1 : i32
      %dma_start3A_689 = arith.constant 3 : i32
      %dma_start3A_690 = arith.constant 0 : i32
      %dma_start3A_691 = arith.constant 0 : i32
      %dma_start3A_692 = tpu.memref_slice %arg6[%dma_start3A_686, %dma_start3A_687, %dma_start3A_690, %dma_start3A_691] : memref<2x4x104x64xf32, #tpu.memory_space<vmem>> -> memref<1x1x96x64xf32, #tpu.memory_space<vmem>>
      %dma_start3A_693 = tpu.memref_squeeze %dma_start3A_692 : memref<1x1x96x64xf32, #tpu.memory_space<vmem>> -> memref<96x64xf32, #tpu.memory_space<vmem>>
      %dma_start3A_694 = arith.constant 0 : i32
      %dma_start3A_695 = tpu.memref_slice %arg4[%add3A_685, %dma_start3A_694] : memref<819200x128xf32, #tpu.memory_space<hbm>> -> memref<96x64xf32, #tpu.memory_space<hbm>>
      %dma_start3A_696 = tpu.memref_slice %arg8[%dma_start3A_688, %dma_start3A_689] : memref<2x4x!tpu.dma_semaphore, #tpu.memory_space<semaphore_mem>> -> memref<1x1x!tpu.dma_semaphore, #tpu.memory_space<semaphore_mem>>
      %dma_start3A_697 = tpu.memref_squeeze %dma_start3A_696 : memref<1x1x!tpu.dma_semaphore, #tpu.memory_space<semaphore_mem>> -> memref<!tpu.dma_semaphore, #tpu.memory_space<semaphore_mem>>
      %dma_start3A_698 = arith.constant 0 : i32
      %dma_start3A_699 = tpu.memref_slice %arg4[%add3A_685, %dma_start3A_698] : memref<819200x128xf32, #tpu.memory_space<hbm>> -> memref<96x64xf32, #tpu.memory_space<hbm>>
      %dma_start3A_700 = arith.constant 0 : i32
      %dma_start3A_701 = arith.constant 0 : i32
      %dma_start3A_702 = tpu.memref_slice %arg6[%dma_start3A_686, %dma_start3A_687, %dma_start3A_700, %dma_start3A_701] : memref<2x4x104x64xf32, #tpu.memory_space<vmem>> -> memref<1x1x96x64xf32, #tpu.memory_space<vmem>>
      %dma_start3A_703 = tpu.memref_squeeze %dma_start3A_702 : memref<1x1x96x64xf32, #tpu.memory_space<vmem>> -> memref<96x64xf32, #tpu.memory_space<vmem>>
      tpu.enqueue_dma source(%dma_start3A_703 : memref<96x64xf32, #tpu.memory_space<vmem>>) target(%dma_start3A_699 : memref<96x64xf32, #tpu.memory_space<hbm>>) target_semaphore(%dma_start3A_697 : memref<!tpu.dma_semaphore, #tpu.memory_space<semaphore_mem>>)
    }
    %scan3A_74 = arith.constant 32 : i32
    %add3A_75 = arith.constant 124 : i32
    %add3A_76 = arith.addi %mul3A_2, %add3A_75 : i32
    %mul3A_77 = arith.constant 200 : i32
    %mul3A_78 = arith.muli %add3A_76, %mul3A_77 : i32
    %add3A_79 = arith.constant 0 : i32
    %add3A_80 = arith.addi %mul3A_78, %add3A_79 : i32
    %dma_wait3A = arith.constant 0 : i32
    %dma_wait3A_81 = arith.constant 0 : i32
    %dma_wait3A_82 = arith.constant 0 : i32
    %dma_wait3A_83 = arith.constant 0 : i32
    %dma_wait3A_84 = arith.constant 0 : i32
    %dma_wait3A_85 = arith.constant 0 : i32
    %dma_wait3A_86 = tpu.memref_slice %arg6[%dma_wait3A, %dma_wait3A_81, %dma_wait3A_84, %dma_wait3A_85] : memref<2x4x104x64xf32, #tpu.memory_space<vmem>> -> memref<1x1x104x64xf32, #tpu.memory_space<vmem>>
    %dma_wait3A_87 = tpu.memref_squeeze %dma_wait3A_86 : memref<1x1x104x64xf32, #tpu.memory_space<vmem>> -> memref<104x64xf32, #tpu.memory_space<vmem>>
    %dma_wait3A_88 = arith.constant 0 : i32
    %dma_wait3A_89 = tpu.memref_slice %arg4[%add3A_80, %dma_wait3A_88] : memref<819200x128xf32, #tpu.memory_space<hbm>> -> memref<104x64xf32, #tpu.memory_space<hbm>>
    %dma_wait3A_90 = tpu.memref_slice %arg8[%dma_wait3A_82, %dma_wait3A_83] : memref<2x4x!tpu.dma_semaphore, #tpu.memory_space<semaphore_mem>> -> memref<1x1x!tpu.dma_semaphore, #tpu.memory_space<semaphore_mem>>
    %dma_wait3A_91 = tpu.memref_squeeze %dma_wait3A_90 : memref<1x1x!tpu.dma_semaphore, #tpu.memory_space<semaphore_mem>> -> memref<!tpu.dma_semaphore, #tpu.memory_space<semaphore_mem>>
    %dma_wait3A_92 = arith.constant 0 : i32
    %dma_wait3A_93 = tpu.memref_slice %arg4[%add3A_80, %dma_wait3A_92] : memref<819200x128xf32, #tpu.memory_space<hbm>> -> memref<104x64xf32, #tpu.memory_space<hbm>>
    %dma_wait3A_94 = arith.constant 0 : i32
    %dma_wait3A_95 = arith.constant 0 : i32
    %dma_wait3A_96 = tpu.memref_slice %arg6[%dma_wait3A, %dma_wait3A_81, %dma_wait3A_94, %dma_wait3A_95] : memref<2x4x104x64xf32, #tpu.memory_space<vmem>> -> memref<1x1x104x64xf32, #tpu.memory_space<vmem>>
    %dma_wait3A_97 = tpu.memref_squeeze %dma_wait3A_96 : memref<1x1x104x64xf32, #tpu.memory_space<vmem>> -> memref<104x64xf32, #tpu.memory_space<vmem>>
    tpu.wait_dma2 semaphore(%dma_wait3A_91 : memref<!tpu.dma_semaphore, #tpu.memory_space<semaphore_mem>>) src(%dma_wait3A_97 : memref<104x64xf32, #tpu.memory_space<vmem>>) dst(%dma_wait3A_93 : memref<104x64xf32, #tpu.memory_space<hbm>>)
    %add3A_98 = arith.constant 126 : i32
    %add3A_99 = arith.addi %mul3A_2, %add3A_98 : i32
    %mul3A_100 = arith.constant 200 : i32
    %mul3A_101 = arith.muli %add3A_99, %mul3A_100 : i32
    %add3A_102 = arith.constant 0 : i32
    %add3A_103 = arith.addi %mul3A_101, %add3A_102 : i32
    %dma_wait3A_104 = arith.constant 1 : i32
    %dma_wait3A_105 = arith.constant 0 : i32
    %dma_wait3A_106 = arith.constant 1 : i32
    %dma_wait3A_107 = arith.constant 0 : i32
    %dma_wait3A_108 = arith.constant 0 : i32
    %dma_wait3A_109 = arith.constant 0 : i32
    %dma_wait3A_110 = tpu.memref_slice %arg6[%dma_wait3A_104, %dma_wait3A_105, %dma_wait3A_108, %dma_wait3A_109] : memref<2x4x104x64xf32, #tpu.memory_space<vmem>> -> memref<1x1x104x64xf32, #tpu.memory_space<vmem>>
    %dma_wait3A_111 = tpu.memref_squeeze %dma_wait3A_110 : memref<1x1x104x64xf32, #tpu.memory_space<vmem>> -> memref<104x64xf32, #tpu.memory_space<vmem>>
    %dma_wait3A_112 = arith.constant 0 : i32
    %dma_wait3A_113 = tpu.memref_slice %arg4[%add3A_103, %dma_wait3A_112] : memref<819200x128xf32, #tpu.memory_space<hbm>> -> memref<104x64xf32, #tpu.memory_space<hbm>>
    %dma_wait3A_114 = tpu.memref_slice %arg8[%dma_wait3A_106, %dma_wait3A_107] : memref<2x4x!tpu.dma_semaphore, #tpu.memory_space<semaphore_mem>> -> memref<1x1x!tpu.dma_semaphore, #tpu.memory_space<semaphore_mem>>
    %dma_wait3A_115 = tpu.memref_squeeze %dma_wait3A_114 : memref<1x1x!tpu.dma_semaphore, #tpu.memory_space<semaphore_mem>> -> memref<!tpu.dma_semaphore, #tpu.memory_space<semaphore_mem>>
    %dma_wait3A_116 = arith.constant 0 : i32
    %dma_wait3A_117 = tpu.memref_slice %arg4[%add3A_103, %dma_wait3A_116] : memref<819200x128xf32, #tpu.memory_space<hbm>> -> memref<104x64xf32, #tpu.memory_space<hbm>>
    %dma_wait3A_118 = arith.constant 0 : i32
    %dma_wait3A_119 = arith.constant 0 : i32
    %dma_wait3A_120 = tpu.memref_slice %arg6[%dma_wait3A_104, %dma_wait3A_105, %dma_wait3A_118, %dma_wait3A_119] : memref<2x4x104x64xf32, #tpu.memory_space<vmem>> -> memref<1x1x104x64xf32, #tpu.memory_space<vmem>>
    %dma_wait3A_121 = tpu.memref_squeeze %dma_wait3A_120 : memref<1x1x104x64xf32, #tpu.memory_space<vmem>> -> memref<104x64xf32, #tpu.memory_space<vmem>>
    tpu.wait_dma2 semaphore(%dma_wait3A_115 : memref<!tpu.dma_semaphore, #tpu.memory_space<semaphore_mem>>) src(%dma_wait3A_121 : memref<104x64xf32, #tpu.memory_space<vmem>>) dst(%dma_wait3A_117 : memref<104x64xf32, #tpu.memory_space<hbm>>)
    %add3A_122 = arith.constant 124 : i32
    %add3A_123 = arith.addi %mul3A_2, %add3A_122 : i32
    %mul3A_124 = arith.constant 200 : i32
    %mul3A_125 = arith.muli %add3A_123, %mul3A_124 : i32
    %add3A_126 = arith.constant 104 : i32
    %add3A_127 = arith.addi %mul3A_125, %add3A_126 : i32
    %dma_wait3A_128 = arith.constant 0 : i32
    %dma_wait3A_129 = arith.constant 1 : i32
    %dma_wait3A_130 = arith.constant 0 : i32
    %dma_wait3A_131 = arith.constant 1 : i32
    %dma_wait3A_132 = arith.constant 0 : i32
    %dma_wait3A_133 = arith.constant 0 : i32
    %dma_wait3A_134 = tpu.memref_slice %arg6[%dma_wait3A_128, %dma_wait3A_129, %dma_wait3A_132, %dma_wait3A_133] : memref<2x4x104x64xf32, #tpu.memory_space<vmem>> -> memref<1x1x96x64xf32, #tpu.memory_space<vmem>>
    %dma_wait3A_135 = tpu.memref_squeeze %dma_wait3A_134 : memref<1x1x96x64xf32, #tpu.memory_space<vmem>> -> memref<96x64xf32, #tpu.memory_space<vmem>>
    %dma_wait3A_136 = arith.constant 0 : i32
    %dma_wait3A_137 = tpu.memref_slice %arg4[%add3A_127, %dma_wait3A_136] : memref<819200x128xf32, #tpu.memory_space<hbm>> -> memref<96x64xf32, #tpu.memory_space<hbm>>
    %dma_wait3A_138 = tpu.memref_slice %arg8[%dma_wait3A_130, %dma_wait3A_131] : memref<2x4x!tpu.dma_semaphore, #tpu.memory_space<semaphore_mem>> -> memref<1x1x!tpu.dma_semaphore, #tpu.memory_space<semaphore_mem>>
    %dma_wait3A_139 = tpu.memref_squeeze %dma_wait3A_138 : memref<1x1x!tpu.dma_semaphore, #tpu.memory_space<semaphore_mem>> -> memref<!tpu.dma_semaphore, #tpu.memory_space<semaphore_mem>>
    %dma_wait3A_140 = arith.constant 0 : i32
    %dma_wait3A_141 = tpu.memref_slice %arg4[%add3A_127, %dma_wait3A_140] : memref<819200x128xf32, #tpu.memory_space<hbm>> -> memref<96x64xf32, #tpu.memory_space<hbm>>
    %dma_wait3A_142 = arith.constant 0 : i32
    %dma_wait3A_143 = arith.constant 0 : i32
    %dma_wait3A_144 = tpu.memref_slice %arg6[%dma_wait3A_128, %dma_wait3A_129, %dma_wait3A_142, %dma_wait3A_143] : memref<2x4x104x64xf32, #tpu.memory_space<vmem>> -> memref<1x1x96x64xf32, #tpu.memory_space<vmem>>
    %dma_wait3A_145 = tpu.memref_squeeze %dma_wait3A_144 : memref<1x1x96x64xf32, #tpu.memory_space<vmem>> -> memref<96x64xf32, #tpu.memory_space<vmem>>
    tpu.wait_dma2 semaphore(%dma_wait3A_139 : memref<!tpu.dma_semaphore, #tpu.memory_space<semaphore_mem>>) src(%dma_wait3A_145 : memref<96x64xf32, #tpu.memory_space<vmem>>) dst(%dma_wait3A_141 : memref<96x64xf32, #tpu.memory_space<hbm>>)
    %add3A_146 = arith.constant 126 : i32
    %add3A_147 = arith.addi %mul3A_2, %add3A_146 : i32
    %mul3A_148 = arith.constant 200 : i32
    %mul3A_149 = arith.muli %add3A_147, %mul3A_148 : i32
    %add3A_150 = arith.constant 104 : i32
    %add3A_151 = arith.addi %mul3A_149, %add3A_150 : i32
    %dma_wait3A_152 = arith.constant 1 : i32
    %dma_wait3A_153 = arith.constant 1 : i32
    %dma_wait3A_154 = arith.constant 1 : i32
    %dma_wait3A_155 = arith.constant 1 : i32
    %dma_wait3A_156 = arith.constant 0 : i32
    %dma_wait3A_157 = arith.constant 0 : i32
    %dma_wait3A_158 = tpu.memref_slice %arg6[%dma_wait3A_152, %dma_wait3A_153, %dma_wait3A_156, %dma_wait3A_157] : memref<2x4x104x64xf32, #tpu.memory_space<vmem>> -> memref<1x1x96x64xf32, #tpu.memory_space<vmem>>
    %dma_wait3A_159 = tpu.memref_squeeze %dma_wait3A_158 : memref<1x1x96x64xf32, #tpu.memory_space<vmem>> -> memref<96x64xf32, #tpu.memory_space<vmem>>
    %dma_wait3A_160 = arith.constant 0 : i32
    %dma_wait3A_161 = tpu.memref_slice %arg4[%add3A_151, %dma_wait3A_160] : memref<819200x128xf32, #tpu.memory_space<hbm>> -> memref<96x64xf32, #tpu.memory_space<hbm>>
    %dma_wait3A_162 = tpu.memref_slice %arg8[%dma_wait3A_154, %dma_wait3A_155] : memref<2x4x!tpu.dma_semaphore, #tpu.memory_space<semaphore_mem>> -> memref<1x1x!tpu.dma_semaphore, #tpu.memory_space<semaphore_mem>>
    %dma_wait3A_163 = tpu.memref_squeeze %dma_wait3A_162 : memref<1x1x!tpu.dma_semaphore, #tpu.memory_space<semaphore_mem>> -> memref<!tpu.dma_semaphore, #tpu.memory_space<semaphore_mem>>
    %dma_wait3A_164 = arith.constant 0 : i32
    %dma_wait3A_165 = tpu.memref_slice %arg4[%add3A_151, %dma_wait3A_164] : memref<819200x128xf32, #tpu.memory_space<hbm>> -> memref<96x64xf32, #tpu.memory_space<hbm>>
    %dma_wait3A_166 = arith.constant 0 : i32
    %dma_wait3A_167 = arith.constant 0 : i32
    %dma_wait3A_168 = tpu.memref_slice %arg6[%dma_wait3A_152, %dma_wait3A_153, %dma_wait3A_166, %dma_wait3A_167] : memref<2x4x104x64xf32, #tpu.memory_space<vmem>> -> memref<1x1x96x64xf32, #tpu.memory_space<vmem>>
    %dma_wait3A_169 = tpu.memref_squeeze %dma_wait3A_168 : memref<1x1x96x64xf32, #tpu.memory_space<vmem>> -> memref<96x64xf32, #tpu.memory_space<vmem>>
    tpu.wait_dma2 semaphore(%dma_wait3A_163 : memref<!tpu.dma_semaphore, #tpu.memory_space<semaphore_mem>>) src(%dma_wait3A_169 : memref<96x64xf32, #tpu.memory_space<vmem>>) dst(%dma_wait3A_165 : memref<96x64xf32, #tpu.memory_space<hbm>>)
    %add3A_170 = arith.constant 125 : i32
    %add3A_171 = arith.addi %mul3A_2, %add3A_170 : i32
    %mul3A_172 = arith.constant 200 : i32
    %mul3A_173 = arith.muli %add3A_171, %mul3A_172 : i32
    %add3A_174 = arith.constant 0 : i32
    %add3A_175 = arith.addi %mul3A_173, %add3A_174 : i32
    %dma_wait3A_176 = arith.constant 0 : i32
    %dma_wait3A_177 = arith.constant 2 : i32
    %dma_wait3A_178 = arith.constant 0 : i32
    %dma_wait3A_179 = arith.constant 2 : i32
    %dma_wait3A_180 = arith.constant 0 : i32
    %dma_wait3A_181 = arith.constant 0 : i32
    %dma_wait3A_182 = tpu.memref_slice %arg6[%dma_wait3A_176, %dma_wait3A_177, %dma_wait3A_180, %dma_wait3A_181] : memref<2x4x104x64xf32, #tpu.memory_space<vmem>> -> memref<1x1x104x64xf32, #tpu.memory_space<vmem>>
    %dma_wait3A_183 = tpu.memref_squeeze %dma_wait3A_182 : memref<1x1x104x64xf32, #tpu.memory_space<vmem>> -> memref<104x64xf32, #tpu.memory_space<vmem>>
    %dma_wait3A_184 = arith.constant 0 : i32
    %dma_wait3A_185 = tpu.memref_slice %arg4[%add3A_175, %dma_wait3A_184] : memref<819200x128xf32, #tpu.memory_space<hbm>> -> memref<104x64xf32, #tpu.memory_space<hbm>>
    %dma_wait3A_186 = tpu.memref_slice %arg8[%dma_wait3A_178, %dma_wait3A_179] : memref<2x4x!tpu.dma_semaphore, #tpu.memory_space<semaphore_mem>> -> memref<1x1x!tpu.dma_semaphore, #tpu.memory_space<semaphore_mem>>
    %dma_wait3A_187 = tpu.memref_squeeze %dma_wait3A_186 : memref<1x1x!tpu.dma_semaphore, #tpu.memory_space<semaphore_mem>> -> memref<!tpu.dma_semaphore, #tpu.memory_space<semaphore_mem>>
    %dma_wait3A_188 = arith.constant 0 : i32
    %dma_wait3A_189 = tpu.memref_slice %arg4[%add3A_175, %dma_wait3A_188] : memref<819200x128xf32, #tpu.memory_space<hbm>> -> memref<104x64xf32, #tpu.memory_space<hbm>>
    %dma_wait3A_190 = arith.constant 0 : i32
    %dma_wait3A_191 = arith.constant 0 : i32
    %dma_wait3A_192 = tpu.memref_slice %arg6[%dma_wait3A_176, %dma_wait3A_177, %dma_wait3A_190, %dma_wait3A_191] : memref<2x4x104x64xf32, #tpu.memory_space<vmem>> -> memref<1x1x104x64xf32, #tpu.memory_space<vmem>>
    %dma_wait3A_193 = tpu.memref_squeeze %dma_wait3A_192 : memref<1x1x104x64xf32, #tpu.memory_space<vmem>> -> memref<104x64xf32, #tpu.memory_space<vmem>>
    tpu.wait_dma2 semaphore(%dma_wait3A_187 : memref<!tpu.dma_semaphore, #tpu.memory_space<semaphore_mem>>) src(%dma_wait3A_193 : memref<104x64xf32, #tpu.memory_space<vmem>>) dst(%dma_wait3A_189 : memref<104x64xf32, #tpu.memory_space<hbm>>)
    %add3A_194 = arith.constant 127 : i32
    %add3A_195 = arith.addi %mul3A_2, %add3A_194 : i32
    %mul3A_196 = arith.constant 200 : i32
    %mul3A_197 = arith.muli %add3A_195, %mul3A_196 : i32
    %add3A_198 = arith.constant 0 : i32
    %add3A_199 = arith.addi %mul3A_197, %add3A_198 : i32
    %dma_wait3A_200 = arith.constant 1 : i32
    %dma_wait3A_201 = arith.constant 2 : i32
    %dma_wait3A_202 = arith.constant 1 : i32
    %dma_wait3A_203 = arith.constant 2 : i32
    %dma_wait3A_204 = arith.constant 0 : i32
    %dma_wait3A_205 = arith.constant 0 : i32
    %dma_wait3A_206 = tpu.memref_slice %arg6[%dma_wait3A_200, %dma_wait3A_201, %dma_wait3A_204, %dma_wait3A_205] : memref<2x4x104x64xf32, #tpu.memory_space<vmem>> -> memref<1x1x104x64xf32, #tpu.memory_space<vmem>>
    %dma_wait3A_207 = tpu.memref_squeeze %dma_wait3A_206 : memref<1x1x104x64xf32, #tpu.memory_space<vmem>> -> memref<104x64xf32, #tpu.memory_space<vmem>>
    %dma_wait3A_208 = arith.constant 0 : i32
    %dma_wait3A_209 = tpu.memref_slice %arg4[%add3A_199, %dma_wait3A_208] : memref<819200x128xf32, #tpu.memory_space<hbm>> -> memref<104x64xf32, #tpu.memory_space<hbm>>
    %dma_wait3A_210 = tpu.memref_slice %arg8[%dma_wait3A_202, %dma_wait3A_203] : memref<2x4x!tpu.dma_semaphore, #tpu.memory_space<semaphore_mem>> -> memref<1x1x!tpu.dma_semaphore, #tpu.memory_space<semaphore_mem>>
    %dma_wait3A_211 = tpu.memref_squeeze %dma_wait3A_210 : memref<1x1x!tpu.dma_semaphore, #tpu.memory_space<semaphore_mem>> -> memref<!tpu.dma_semaphore, #tpu.memory_space<semaphore_mem>>
    %dma_wait3A_212 = arith.constant 0 : i32
    %dma_wait3A_213 = tpu.memref_slice %arg4[%add3A_199, %dma_wait3A_212] : memref<819200x128xf32, #tpu.memory_space<hbm>> -> memref<104x64xf32, #tpu.memory_space<hbm>>
    %dma_wait3A_214 = arith.constant 0 : i32
    %dma_wait3A_215 = arith.constant 0 : i32
    %dma_wait3A_216 = tpu.memref_slice %arg6[%dma_wait3A_200, %dma_wait3A_201, %dma_wait3A_214, %dma_wait3A_215] : memref<2x4x104x64xf32, #tpu.memory_space<vmem>> -> memref<1x1x104x64xf32, #tpu.memory_space<vmem>>
    %dma_wait3A_217 = tpu.memref_squeeze %dma_wait3A_216 : memref<1x1x104x64xf32, #tpu.memory_space<vmem>> -> memref<104x64xf32, #tpu.memory_space<vmem>>
    tpu.wait_dma2 semaphore(%dma_wait3A_211 : memref<!tpu.dma_semaphore, #tpu.memory_space<semaphore_mem>>) src(%dma_wait3A_217 : memref<104x64xf32, #tpu.memory_space<vmem>>) dst(%dma_wait3A_213 : memref<104x64xf32, #tpu.memory_space<hbm>>)
    %add3A_218 = arith.constant 125 : i32
    %add3A_219 = arith.addi %mul3A_2, %add3A_218 : i32
    %mul3A_220 = arith.constant 200 : i32
    %mul3A_221 = arith.muli %add3A_219, %mul3A_220 : i32
    %add3A_222 = arith.constant 104 : i32
    %add3A_223 = arith.addi %mul3A_221, %add3A_222 : i32
    %dma_wait3A_224 = arith.constant 0 : i32
    %dma_wait3A_225 = arith.constant 3 : i32
    %dma_wait3A_226 = arith.constant 0 : i32
    %dma_wait3A_227 = arith.constant 3 : i32
    %dma_wait3A_228 = arith.constant 0 : i32
    %dma_wait3A_229 = arith.constant 0 : i32
    %dma_wait3A_230 = tpu.memref_slice %arg6[%dma_wait3A_224, %dma_wait3A_225, %dma_wait3A_228, %dma_wait3A_229] : memref<2x4x104x64xf32, #tpu.memory_space<vmem>> -> memref<1x1x96x64xf32, #tpu.memory_space<vmem>>
    %dma_wait3A_231 = tpu.memref_squeeze %dma_wait3A_230 : memref<1x1x96x64xf32, #tpu.memory_space<vmem>> -> memref<96x64xf32, #tpu.memory_space<vmem>>
    %dma_wait3A_232 = arith.constant 0 : i32
    %dma_wait3A_233 = tpu.memref_slice %arg4[%add3A_223, %dma_wait3A_232] : memref<819200x128xf32, #tpu.memory_space<hbm>> -> memref<96x64xf32, #tpu.memory_space<hbm>>
    %dma_wait3A_234 = tpu.memref_slice %arg8[%dma_wait3A_226, %dma_wait3A_227] : memref<2x4x!tpu.dma_semaphore, #tpu.memory_space<semaphore_mem>> -> memref<1x1x!tpu.dma_semaphore, #tpu.memory_space<semaphore_mem>>
    %dma_wait3A_235 = tpu.memref_squeeze %dma_wait3A_234 : memref<1x1x!tpu.dma_semaphore, #tpu.memory_space<semaphore_mem>> -> memref<!tpu.dma_semaphore, #tpu.memory_space<semaphore_mem>>
    %dma_wait3A_236 = arith.constant 0 : i32
    %dma_wait3A_237 = tpu.memref_slice %arg4[%add3A_223, %dma_wait3A_236] : memref<819200x128xf32, #tpu.memory_space<hbm>> -> memref<96x64xf32, #tpu.memory_space<hbm>>
    %dma_wait3A_238 = arith.constant 0 : i32
    %dma_wait3A_239 = arith.constant 0 : i32
    %dma_wait3A_240 = tpu.memref_slice %arg6[%dma_wait3A_224, %dma_wait3A_225, %dma_wait3A_238, %dma_wait3A_239] : memref<2x4x104x64xf32, #tpu.memory_space<vmem>> -> memref<1x1x96x64xf32, #tpu.memory_space<vmem>>
    %dma_wait3A_241 = tpu.memref_squeeze %dma_wait3A_240 : memref<1x1x96x64xf32, #tpu.memory_space<vmem>> -> memref<96x64xf32, #tpu.memory_space<vmem>>
    tpu.wait_dma2 semaphore(%dma_wait3A_235 : memref<!tpu.dma_semaphore, #tpu.memory_space<semaphore_mem>>) src(%dma_wait3A_241 : memref<96x64xf32, #tpu.memory_space<vmem>>) dst(%dma_wait3A_237 : memref<96x64xf32, #tpu.memory_space<hbm>>)
    %add3A_242 = arith.constant 127 : i32
    %add3A_243 = arith.addi %mul3A_2, %add3A_242 : i32
    %mul3A_244 = arith.constant 200 : i32
    %mul3A_245 = arith.muli %add3A_243, %mul3A_244 : i32
    %add3A_246 = arith.constant 104 : i32
    %add3A_247 = arith.addi %mul3A_245, %add3A_246 : i32
    %dma_wait3A_248 = arith.constant 1 : i32
    %dma_wait3A_249 = arith.constant 3 : i32
    %dma_wait3A_250 = arith.constant 1 : i32
    %dma_wait3A_251 = arith.constant 3 : i32
    %dma_wait3A_252 = arith.constant 0 : i32
    %dma_wait3A_253 = arith.constant 0 : i32
    %dma_wait3A_254 = tpu.memref_slice %arg6[%dma_wait3A_248, %dma_wait3A_249, %dma_wait3A_252, %dma_wait3A_253] : memref<2x4x104x64xf32, #tpu.memory_space<vmem>> -> memref<1x1x96x64xf32, #tpu.memory_space<vmem>>
    %dma_wait3A_255 = tpu.memref_squeeze %dma_wait3A_254 : memref<1x1x96x64xf32, #tpu.memory_space<vmem>> -> memref<96x64xf32, #tpu.memory_space<vmem>>
    %dma_wait3A_256 = arith.constant 0 : i32
    %dma_wait3A_257 = tpu.memref_slice %arg4[%add3A_247, %dma_wait3A_256] : memref<819200x128xf32, #tpu.memory_space<hbm>> -> memref<96x64xf32, #tpu.memory_space<hbm>>
    %dma_wait3A_258 = tpu.memref_slice %arg8[%dma_wait3A_250, %dma_wait3A_251] : memref<2x4x!tpu.dma_semaphore, #tpu.memory_space<semaphore_mem>> -> memref<1x1x!tpu.dma_semaphore, #tpu.memory_space<semaphore_mem>>
    %dma_wait3A_259 = tpu.memref_squeeze %dma_wait3A_258 : memref<1x1x!tpu.dma_semaphore, #tpu.memory_space<semaphore_mem>> -> memref<!tpu.dma_semaphore, #tpu.memory_space<semaphore_mem>>
    %dma_wait3A_260 = arith.constant 0 : i32
    %dma_wait3A_261 = tpu.memref_slice %arg4[%add3A_247, %dma_wait3A_260] : memref<819200x128xf32, #tpu.memory_space<hbm>> -> memref<96x64xf32, #tpu.memory_space<hbm>>
    %dma_wait3A_262 = arith.constant 0 : i32
    %dma_wait3A_263 = arith.constant 0 : i32
    %dma_wait3A_264 = tpu.memref_slice %arg6[%dma_wait3A_248, %dma_wait3A_249, %dma_wait3A_262, %dma_wait3A_263] : memref<2x4x104x64xf32, #tpu.memory_space<vmem>> -> memref<1x1x96x64xf32, #tpu.memory_space<vmem>>
    %dma_wait3A_265 = tpu.memref_squeeze %dma_wait3A_264 : memref<1x1x96x64xf32, #tpu.memory_space<vmem>> -> memref<96x64xf32, #tpu.memory_space<vmem>>
    tpu.wait_dma2 semaphore(%dma_wait3A_259 : memref<!tpu.dma_semaphore, #tpu.memory_space<semaphore_mem>>) src(%dma_wait3A_265 : memref<96x64xf32, #tpu.memory_space<vmem>>) dst(%dma_wait3A_261 : memref<96x64xf32, #tpu.memory_space<hbm>>)
    return
  }
}

</mosaic_0001>

<sc_bundles>
// kernel: kernel.3.cloned.1.call-start
scs
__scs_entry_jumppad:
0x0: {  	(pc) =	sbr.rel $0x88, $3  }
0x1: {  	(tag) =	ssettag $0x0;
	lr =	simm.s32 $0x1  }
0x2: {  	[smem:$0x3F9F] =	sst lr;
	_ =	strace $0xD0000000  }
0x3: {  	_ = 	snop  }
0x4: {  	_ = 	snop  }
0x5: {  	_ = 	snop  }
0x6: {  	_ = 	snop  }
0x7: {  	_ = 	snop  }
__scs_overlays_trampoline_lowered:
0x8: {  	[smem:$0x3FAE] =	sst s0  }
0x9: {  	[smem:$0x3FAF] =	sst s1  }
0xa: {  	[smem:$0x3FB0] =	sst s2  }
0xb: {  	[smem:$0x3FB1] =	sst s3  }
0xc: {  	[smem:$0x3FB2] =	sst s4  }
0xd: {  	[smem:$0x3FB3] =	sst s5  }
0xe: {  	[smem:$0x3FB4] =	sst s6  }
0xf: {  	[smem:$0x3FB5] =	sst s7  }
0x10: {  	[smem:$0x3FB6] =	sst s8  }
0x11: {  	[smem:$0x3FB7] =	sst s9;
	s0 =	simm.s32 @!p0 $0x0  }
0x12: {  	s1 =	sld [smem:$0x3F9D];
	s0 =	simm.s32 @p0 $0x1  }
0x13: {  	[smem:$0x3FB8] =	sst s0;
	s0 =	simm.s32 @!p1 $0x0  }
0x14: {  	s2 =	sld [smem:$0x3F9C];
	s0 =	simm.s32 @p1 $0x1  }
0x15: {  	[smem:$0x3FB9] =	sst s0;
	s0 =	simm.s32 @!p2 $0x0  }
0x16: {  	s3 =	sld [smem:$0x3FDB];
	s0 =	simm.s32 @p2 $0x1  }
0x17: {  	s4 =	simm.s32 $0x1BF5;
	[smem:$0x3FBB] =	sst s0  }
0x18: {  	s0 =	sld [smem:$0x3F9E];
	_ =	swait.ge [sflag:s4], $0x0  }
0x19: {  	s7 =	sld [smem:$0x3F9F]  }
0x1a: {  	s8 =	sadd.s32 $0xFFFFE003, lr  }
0x1b: {  	s9 =	sadd.s32 $0xFFFFFEF7, lr;
	s5 =	simm.s32 $0xFFFFFFFF;
	p2 =	slt.u32 s8, $0xFFFFF086  }
0x1c: {  	p1 =	slt.u32 s9, $0xF7A;
	s5 =	simm.s32 @!p2 $0x0  }
0x1d: {  	s5 =	simm.s32 @p1 $0x1;
	p0 =	seq.s32 s7, s2  }
0x1e: {  	s7 =	smul.u32 @!p0 $0xF7A, s2;
	p2 =	seq.s32 @!p0 s5, $0x0  }
0x1f: {  	s9 =	smul.u32 $0xF7A, s1;
	s8 =	simm.s32 @!p0 $0x1BF5;
	p2 =	por !p2, p0  }
0x20: {  	[sflag:s8] =	ssyncset.s32 @!p0 $0xFFFFF086;
	s6 =	sadd.s32 @!p0 s3, s7;
	s7 =	simm.s32 @!p0 $0x108  }
0x21: {  	s3 =	sadd.s32 s3, s9;
	s6 =	sadd.s32 @!p0 $0x88, s6;
	s7 =	simm.s32 @p2 $0x1082  }
0x22: {  	[simem:s7], [sflag:s8] =	dma.local @!p0 [hbm:s6], $0xF7A  }
0x23: {  	s9 =	sor.u32 $0xD0000000, s2;
	s6 =	simm.s32 $0x108;
	_ =	swait.ge @!p0 [sflag:s8], $0x0  }
0x24: {  	s3 =	sadd.s32 $0x88, s3;
	s6 =	simm.s32 @!p1 $0x1082;
	[sflag:s4] =	ssyncset.s32 $0xFFFFF086  }
0x25: {  	[simem:s6], [sflag:s4] =	dma.local [hbm:s3], $0xF7A  }
0x26: {  	[smem:$0x3F9F] =	sst s1;
	(tag) =	ssettag s2;
	_ =	strace s9  }
0x27: {  	s1 =	sld [smem:$0x3FAF]  }
0x28: {  	s2 =	sld [smem:$0x3FB0]  }
0x29: {  	s4 =	sld [smem:$0x3FB2]  }
0x2a: {  	p0 =	seq.s32 s5, $0x0;
	s5 =	sld [smem:$0x3FB3]  }
0x2b: {  	s6 =	sld [smem:$0x3FB4]  }
0x2c: {  	s7 =	sld [smem:$0x3FB5]  }
0x2d: {  	s3 =	simm.s32 $0x108;
	s8 =	sld [smem:$0x3FB6]  }
0x2e: {  	s3 =	simm.s32 @!p0 $0x1082;
	s9 =	sld [smem:$0x3FB7]  }
0x2f: {  	lr =	sadd.s32 s0, s3;
	s0 =	sld [smem:$0x3FAE]  }
0x30: {  	s3 =	sld [smem:$0x3FB1]  }
0x31: {  	[smem:$0x3FBA] =	sst s10  }
0x32: {  	s10 =	sld [smem:$0x3FB8];
	_ =	sdelay $0x3  }
0x33: {  	p0 =	seq.s32 s10, $0x1;
	s10 =	sld [smem:$0x3FBA];
	_ =	sdelay $0x3  }
0x34: {  	[smem:$0x3FBA] =	sst s10  }
0x35: {  	s10 =	sld [smem:$0x3FB9];
	_ =	sdelay $0x3  }
0x36: {  	p1 =	seq.s32 s10, $0x1;
	s10 =	sld [smem:$0x3FBA];
	_ =	sdelay $0x3  }
0x37: {  	[smem:$0x3FBA] =	sst s10  }
0x38: {  	s10 =	sld [smem:$0x3FBB]  }
0x39: {  	_ = 	snop;
	(pc) =	sbr.ind lr, $3  }
0x3a: {  	_ = 	snop  }
0x3b: {  	_ = 	snop  }
0x3c: {  	p2 =	seq.s32 s10, $0x1;
	s10 =	sld [smem:$0x3FBA]  }
0x3d: {  	_ =	shalt  }
0x3e: {  	_ =	shalt  }
0x3f: {  	_ =	shalt  }
0x40: {  	_ =	shalt  }
0x41: {  	_ =	shalt  }
0x42: {  	_ =	shalt  }
0x43: {  	_ =	shalt  }
0x44: {  	_ =	shalt  }
0x45: {  	_ =	shalt  }
0x46: {  	_ =	shalt  }
0x47: {  	_ =	shalt  }
0x48: {  	_ =	shalt  }
0x49: {  	_ =	shalt  }
0x4a: {  	_ =	shalt  }
0x4b: {  	_ =	shalt  }
0x4c: {  	_ =	shalt  }
0x4d: {  	_ =	shalt  }
0x4e: {  	_ =	shalt  }
0x4f: {  	_ =	shalt  }
0x50: {  	_ =	shalt  }
0x51: {  	_ =	shalt  }
0x52: {  	_ =	shalt  }
0x53: {  	_ =	shalt  }
0x54: {  	_ =	shalt  }
0x55: {  	_ =	shalt  }
0x56: {  	_ =	shalt  }
0x57: {  	_ =	shalt  }
0x58: {  	_ =	shalt  }
0x59: {  	_ =	shalt  }
0x5a: {  	_ =	shalt  }
0x5b: {  	_ =	shalt  }
0x5c: {  	_ =	shalt  }
0x5d: {  	_ =	shalt  }
0x5e: {  	_ =	shalt  }
0x5f: {  	_ =	shalt  }
0x60: {  	_ =	shalt  }
0x61: {  	_ =	shalt  }
0x62: {  	_ =	shalt  }
0x63: {  	_ =	shalt  }
0x64: {  	_ =	shalt  }
0x65: {  	_ =	shalt  }
0x66: {  	_ =	shalt  }
0x67: {  	_ =	shalt  }
0x68: {  	_ =	shalt  }
0x69: {  	_ =	shalt  }
0x6a: {  	_ =	shalt  }
0x6b: {  	_ =	shalt  }
0x6c: {  	_ =	shalt  }
0x6d: {  	_ =	shalt  }
0x6e: {  	_ =	shalt  }
0x6f: {  	_ =	shalt  }
0x70: {  	_ =	shalt  }
0x71: {  	_ =	shalt  }
0x72: {  	_ =	shalt  }
0x73: {  	_ =	shalt  }
0x74: {  	_ =	shalt  }
0x75: {  	_ =	shalt  }
0x76: {  	_ =	shalt  }
0x77: {  	_ =	shalt  }
0x78: {  	_ =	shalt  }
0x79: {  	_ =	shalt  }
0x7a: {  	_ =	shalt  }
0x7b: {  	_ =	shalt  }
0x7c: {  	_ =	shalt  }
0x7d: {  	_ =	shalt  }
0x7e: {  	_ =	shalt  }
0x7f: {  	_ =	shalt  }
0x80: {  	_ =	shalt  }
0x81: {  	_ =	shalt  }
0x82: {  	_ =	shalt  }
0x83: {  	_ =	shalt  }
0x84: {  	_ =	shalt  }
0x85: {  	_ =	shalt  }
0x86: {  	_ =	shalt  }
0x87: {  	_ =	shalt  }
.Lfunc_end0:
.L_simem_size_0:
called_computation.1_lowered:
.L_overlay_start_0:
0x88: {  	s2 =	sld [smem:$0x3FD9]  }
0x89: {  	s3 =	sld [smem:$0x3FFE];
	_ =	sdelay $0x1  }
0x8a: {  	s1 =	srdreg.scid  }
0x8b: {  	s0 =	sand.u32 $0x1, s1  }
0x8c: {  	s17 =	sshll.u32 s0, $0xA;
	s2 =	sadd.s32 s3, s2  }
0x8d: {  	s2 =	sadd.s32 s2, s17  }
0x8e: {  	[smem:$0x3FC6] =	sst s2  }
0x8f: {  	_ = 	snop  }
0x90: {  	s2 =	sld [smem:$0x3FD0];
	(tm) =	ssettm $0x1  }
0x91: {  	s18 =	sld [smem:$0x3FFB];
	_ =	sdelay $0x3  }
0x92: {  	_ =	strace s18  }
0x93: {  	s3 =	sld [smem:$0x3FFC];
	_ =	sdelay $0x3  }
0x94: {  	_ =	strace s3  }
0x95: {  	s3 =	sld [smem:$0x3FFD];
	_ =	sdelay $0x3  }
0x96: {  	_ =	strace s3  }
0x97: {  	_ =	strace $0x8FFFFFFF  }
0x98: {  	s19 =	sld [smem:$0x3FDB];
	_ =	sdelay $0x1  }
0x99: {  	s4 =	simm.s32 $_scs_section_size  }
0x9a: {  	s5 =	simm.s32 $_size__tile_overlayer_lowered;
	s6 =	simm.s32 $_tile_overlayer_lowered  }
0x9b: {  	s22 =	simm.s32 $0x1BFF;
	s21 =	sshll.u32 s6, $0x1;
	s3 =	sadd.s32 s4, s19  }
0x9c: {  	s7 =	simm.s32 $0x0;
	s20 =	sshll.u32 s5, $0x1;
	s5 =	sadd.s32 s21, s3  }
0x9d: {  	[timem:s7], [sflag:s22] =	dma.local [hbm:s5], s20  }
0x9e: {  	_ =	swait.ge [sflag:s22], s20  }
0x9f: {  	s4 =	ssub.s32 $0x0, s20;
	[sflag:s22] =	ssyncset.done $0x0  }
0xa0: {  	[sflag:s22] =	ssyncadd.s32 s4;
	_ =	sdelay $0x1  }
0xa1: {  	s23 =	simm.s32 $0x1B8B  }
0xa2: {  	_ =	swait.ge [sflag:s23], $0x1  }
0xa3: {  	[sflag:s23] =	ssyncset.done $0x0  }
0xa4: {  	s25 =	simm.s32 $0x1B8E;
	s24 =	sld [smem:$0x3FFE];
	[sflag:s23] =	ssyncadd.s32 $0xFFFFFFFF  }
0xa5: {  	s26 =	simm.s32 $execute0_lowered;
	[smem:$0x3FD2] =	sst s25  }
0xa6: {  	s5 =	sshll.u32 s26, $0x1;
	_ =	strace $0x80000046;
	[dreg:$0x1] =	wrdreg $0xFFFFFFFF  }
0xa7: {  	s28 =	simm.s32 $_size_execute0_lowered;
	s3 =	sadd.s32 s3, s5;
	[dreg:$0x0] =	wrdreg $0x0  }
0xa8: {  	s5 =	sshll.u32 s28, $0x1;
	[dreg:$0x2] =	wrdreg s3  }
0xa9: {  	[dreg:$0x3] =	wrdreg s5  }
0xaa: {  	[dreg:$0x4] =	wrdreg $0xC0  }
0xab: {  	_ =	task [dreg:s7], $0x5FFFF  }
0xac: {  	[dreg:$0x1] =	wrdreg $0xFFFFFFFF  }
0xad: {  	[dreg:$0x0] =	wrdreg $0x60  }
0xae: {  	[dreg:$0x2] =	wrdreg s2  }
0xaf: {  	[dreg:$0x3] =	wrdreg s24  }
0xb0: {  	[dreg:$0x4] =	wrdreg $0x9  }
0xb1: {  	_ =	task.clear_ibuf [dreg:s7], $0x5FFFF;
	_ =	strace $0x90000046  }
0xb2: {  	s29 =	simm.s32 $0x9;
	_ =	strace $0x80000048  }
0xb3: {  	_ =	swait.ge [sflag:s29], $0x1  }
0xb4: {  	[sflag:s29] =	ssyncadd.s32 $0xFFFFFFFF  }
0xb5: {  	_ =	strace $0x90000048  }
0xb6: {  	_ =	sfence  }
0xb7: {  	s30 =	sld [smem:$0x0];
	_ =	sdelay $0x2  }
0xb8: {  	s31 =	sshll.u32 s1, $0xD;
	s1 =	sshrl.u32 s1, $0x2  }
0xb9: {  	s3 =	sand.u32 $0x4000, s31;
	s1 =	sadd.s32 s1, s30  }
0xba: {  	s0 =	sor.u32 s3, s0;
	s1 =	sshll.u32 s1, $0x11  }
0xbb: {  	s0 =	sor.u32 s1, s0  }
0xbc: {  	s0 =	sadd.s32 $0x8F2B, s0  }
0xbd: {  	[sflag:s0] =	ssyncadd.remote.s32 $0x1  }
0xbe: {  	_ =	sfence.sel $0xFFFF  }
0xbf: {  	[dreg:$0x0] =	wrdreg $0xFFFFFFFF;
	(pc) =	sbr.abs _section_cstart, $3  }
0xc0: {  	[dreg:$0x1] =	wrdreg $0xFFFFFFFF  }
0xc1: {  	_ =	task.clear_ibuf [dreg:s7], $0x2FFFF;
	_ =	strace $0x9FFFFFFF  }
0xc2: {  	(tm) =	ssettm $0x7FFFFFFF  }
0xc3: {  	_ =	shalt  }
tec
execute0_lowered:
.L_overlay_start_1:
0x0: {  	(tag) =	ssettag $0x1  }
0x1: {  	s0 =	rddreg [dreg:$0x0]  }
0x2: {  	s1 =	rddreg [dreg:$0x1]  }
0x3: {  	s3 =	simm.s32 $0x0;
	s2 =	srdreg.scid;
	s8 =	stileid.u32  }
0x4: {  	s29 =	simm.s32 $0xCC00;
	s30 =	simm.s32 $0xE600;
	s31 =	simm.s32 $0x10000  }
0x5: {  	[smem:$0x7FF] =	sst s3;
	s2 =	sand.u32 $0x1, s2;
	s16 =	sshll.u32 s8, $0x8  }
0x6: {  	s5 =	smul.u32 $0x640000, s8;
	s3 =	sadd.s32 $0xF42E00, s1;
	s1 =	sadd.s32 $0xA00, s1  }
0x7: {  	s17 =	smul.u32 $0xC8000, s8;
	_ =	strace $0x80000047;
	[dreg:$0xb] =	wrdreg s1  }
0x8: {  	s4 =	sshll.u32 s2, $0x7;
	s6 =	smul.u32 $0x320000, s2;
	[dreg:$0x8] =	wrdreg s29  }
0x9: {  	s7 =	ssub.s32 $0x2, s2;
	s2 =	smul.u32 $0x64000, s2;
	[dreg:$0x9] =	wrdreg s30  }
0xa: {  	[dreg:$0xa] =	wrdreg s31;
	s4 =	sor.u32 s4, s16;
	s18 =	sshrl.u32 s7, $0x1  }
0xb: {  	s16 =	simm.s32 $0x11A00;
	s4 =	smul.u32 $0x19, s4;
	s5 =	sadd.s32 s6, s5  }
0xc: {  	s7 =	ssub.s32 s7, s18;
	s20 =	sadd.s32 s2, s17;
	s17 =	simm.s32 $0x1  }
0xd: {  	s18 =	simm.s32 $0x40;
	s2 =	simm.s32 $0x0;
	s9 =	sor.u32 $0x9800, s5  }
0xe: {  	s21 =	sor.u32 $0x3400, s5;
	[dreg:$0x4] =	wrdreg s20;
	s26 =	smax.u32 s7, $0x1  }
0xf: {  	s23 =	sor.u32 $0x16000, s5;
	s0 =	sadd.s32 s0, s4;
	[dreg:$0xd] =	wrdreg s26  }
0x10: {  	s25 =	sor.u32 $0xFC00, s5;
	s19 =	sshrl.u32 s9, $0x3;
	[dreg:$0xc] =	wrdreg s0  }
0x11: {  	s20 =	simm.s32 $0x2;
	s22 =	sshrl.u32 s21, $0x3;
	[dreg:$0x3] =	wrdreg s19  }
0x12: {  	s24 =	sshrl.u32 s23, $0x3;
	s28 =	sshrl.u32 s25, $0x3;
	[dreg:$0x5] =	wrdreg s22  }
0x13: {  	s21 =	simm.s32 $0x3;
	s23 =	simm.s32 $0x5;
	[dreg:$0x6] =	wrdreg s24  }
0x14: {  	s25 =	simm.s32 $0x7;
	s26 =	simm.s32 $0x8;
	[dreg:$0x7] =	wrdreg s28  }
0x15: {  	s19 =	simm.s32 $0x80;
	s22 =	simm.s32 $0x4;
	s24 =	simm.s32 $0x6  }
.LBB2_1:
0x16: {  	[dreg:$0xe] =	wrdreg s2  }
0x17: {  	s0 =	simm.s32 $0x0;
	s1 =	rddreg [dreg:$0xc];
	s13 =	simm.s32 $0x11  }
0x18: {  	[tilespmem:s0], [sflag:$0x11] =	stream.linear.gather [hbm4b:s1+s0], $0x6400, $0x38;
	[tilespmem:$0x13400] =	vst v63  }
0x19: {  	_ =	swait.ge [sflag:s13], $0x6400  }
0x1a: {  	[sflag:s13] =	ssyncset.done $0x0  }
0x1b: {  	s14 =	simm.s32 $0x68;
	s15 =	simm.s32 $0x6400;
	[sflag:s13] =	ssyncadd.s32 $0xFFFF9C00  }
0x1c: {  	[tilespmem:s15], [sflag:$0x1] =	stream.indirect.gather [hbm4b:s3+s14], $0x40, s0, s14, $0xb8;
	[tilespmem:$0x13400] =	vst v63  }
0x1d: {  	s8 =	simm.s32 $0x60;
	s9 =	simm.s32 $0x7E00;
	p1 =	por $0x0, $0x0  }
0x1e: {  	[tilespmem:s9], [sflag:$0x2] =	stream.indirect.gather [hbm4b:s3+s8], $0x40, s14, s8, $0xb8;
	[tilespmem:$0x13400] =	vst v63  }
0x1f: {  	s4 =	simm.s32 $0xC8;
	s10 =	simm.s32 $0x9800;
	p0 =	por p1, p1  }
0x20: {  	[tilespmem:s10], [sflag:$0x3] =	stream.indirect.gather [hbm4b:s3+s14], $0x40, s4, s14, $0xb8;
	[tilespmem:$0x13400] =	vst v63  }
0x21: {  	s5 =	simm.s32 $0x130;
	s11 =	simm.s32 $0xB200;
	s0 =	simm.s32 @p0 $0xD  }
0x22: {  	[tilespmem:s11], [sflag:$0x4] =	stream.indirect.gather [hbm4b:s3+s8], $0x40, s5, s8, $0xb8;
	[tilespmem:$0x13400] =	vst v63  }
0x23: {  	_ =	swait.ge @p0 [sflag:s0], $0x1A00  }
0x24: {  	s6 =	simm.s32 @p0 $0xCC00;
	s4 =	simm.s32 @p1 $0x190;
	[sflag:s0] =	ssyncset.done @p0 $0x0  }
0x25: {  	s5 =	simm.s32 @p0 $0xE;
	[sflag:s0] =	ssyncadd.s32 @p0 $0xFFFFE600;
	s0 =	simm.s32 @p0 $0x68  }
0x26: {  	[tilespmem:s6], [sflag:$0x5] =	stream.indirect.gather @p0 [hbm4b:s3+s0], $0x40, s4, s0, $0xb8;
	[tilespmem:$0x13400] =	vst v63  }
0x27: {  	_ =	swait.ge @p0 [sflag:s5], $0x1800  }
0x28: {  	s7 =	simm.s32 @p0 $0xE600;
	s4 =	simm.s32 @p1 $0x1F8;
	[sflag:s5] =	ssyncset.done @p0 $0x0  }
0x29: {  	s6 =	simm.s32 @p0 $0xF;
	[sflag:s5] =	ssyncadd.s32 @p0 $0xFFFFE800;
	s5 =	simm.s32 @p0 $0x60  }
0x2a: {  	[tilespmem:s7], [sflag:$0x6] =	stream.indirect.gather @p0 [hbm4b:s3+s5], $0x40, s4, s5, $0xb8;
	[tilespmem:$0x13400] =	vst v63  }
0x2b: {  	_ =	swait.ge @p0 [sflag:s6], $0x1A00  }
0x2c: {  	s4 =	simm.s32 @p1 $0x258;
	[sflag:s6] =	ssyncset.done @p0 $0x0  }
0x2d: {  	s5 =	simm.s32 @p0 $0x10000;
	[sflag:s6] =	ssyncadd.s32 @p0 $0xFFFFE600;
	s6 =	simm.s32 @p0 $0x10  }
0x2e: {  	[tilespmem:s5], [sflag:$0x7] =	stream.indirect.gather @p0 [hbm4b:s3+s0], $0x40, s4, s0, $0xb8;
	[tilespmem:$0x13400] =	vst v63  }
0x2f: {  	_ =	swait.ge @p0 [sflag:s6], $0x1800  }
0x30: {  	s0 =	simm.s32 @!p1 $0x190;
	[sflag:s6] =	ssyncset.done @p0 $0x0  }
0x31: {  	s4 =	simm.s32 @!p0 $0x68;
	s5 =	simm.s32 @!p0 $0xCC00;
	[sflag:s6] =	ssyncadd.s32 @p0 $0xFFFFE800  }
0x32: {  	[tilespmem:s5], [sflag:$0x5] =	stream.indirect.gather @!p0 [hbm4b:s3+s4], $0x40, s0, s4, $0xb8;
	[tilespmem:$0x13400] =	vst v63  }
0x33: {  	s6 =	simm.s32 @!p0 $0xE600;
	s0 =	simm.s32 @!p1 $0x1F8;
	s5 =	simm.s32 @!p0 $0x60  }
0x34: {  	[tilespmem:s6], [sflag:$0x6] =	stream.indirect.gather @!p0 [hbm4b:s3+s5], $0x40, s0, s5, $0xb8;
	[tilespmem:$0x13400] =	vst v63  }
0x35: {  	s0 =	simm.s32 @!p1 $0x258;
	s5 =	simm.s32 @!p0 $0x10000  }
0x36: {  	[tilespmem:s5], [sflag:$0x7] =	stream.indirect.gather @!p0 [hbm4b:s3+s4], $0x40, s0, s4, $0xb8;
	[tilespmem:$0x13400] =	vst v63  }
0x37: {  	s6 =	simm.s32 $0x2C0  }
0x38: {  	[tilespmem:s16], [sflag:$0x8] =	stream.indirect.gather [hbm4b:s3+s8], $0x40, s6, s8, $0xb8;
	[tilespmem:$0x13400] =	vst v63  }
0x39: {  	_ =	swait.ge [sflag:s17], $0x1A00  }
0x3a: {  	s7 =	rddreg [dreg:$0x4]  }
0x3b: {  	[sflag:s17] =	ssyncset.done $0x0;
	s1 =	rddreg [dreg:$0xb]  }
0x3c: {  	[sflag:s17] =	ssyncadd.s32 $0xFFFFE600;
	s4 =	sadd.s32 s1, s7  }
0x3d: {  	[hbm4b:s4+s18] =	stream.strided.scatter [tilespmem:s15], [sflag:$0x9], $0x1A00, s19, s18, $0x38;
	[tilespmem:$0x13400] =	vst v63  }
0x3e: {  	_ =	swait.ge [sflag:s20], $0x1800  }
0x3f: {  	s8 =	rddreg [dreg:$0x5];
	[sflag:s20] =	ssyncset.done $0x0  }
0x40: {  	[sflag:s20] =	ssyncadd.s32 $0xFFFFE800;
	s0 =	sadd.s32 s1, s8  }
0x41: {  	[hbm4b:s0+s18] =	stream.strided.scatter [tilespmem:s9], [sflag:$0xA], $0x1800, s19, s18, $0x38;
	[tilespmem:$0x13400] =	vst v63  }
0x42: {  	_ =	swait.ge [sflag:s21], $0x1A00  }
0x43: {  	[sflag:s21] =	ssyncset.done $0x0  }
0x44: {  	s9 =	sadd.s32 $0xC80, s4;
	[sflag:s21] =	ssyncadd.s32 $0xFFFFE600  }
0x45: {  	[hbm4b:s9+s18] =	stream.strided.scatter [tilespmem:s10], [sflag:$0xB], $0x1A00, s19, s18, $0x38;
	[tilespmem:$0x13400] =	vst v63  }
0x46: {  	_ =	swait.ge [sflag:s22], $0x1800  }
0x47: {  	s10 =	rddreg [dreg:$0x3];
	[sflag:s22] =	ssyncset.done $0x0  }
0x48: {  	p0 =	por $0x0, $0x0;
	[sflag:s22] =	ssyncadd.s32 $0xFFFFE800;
	s0 =	sadd.s32 s1, s10  }
0x49: {  	[hbm4b:s0+s18] =	stream.strided.scatter [tilespmem:s11], [sflag:$0xC], $0x1800, s19, s18, $0x38;
	[tilespmem:$0x13400] =	vst v63  }
0x4a: {  	s0 =	simm.s32 @!p0 $0x9  }
0x4b: {  	_ =	swait.ge @!p0 [sflag:s0], $0x1A00  }
0x4c: {  	s5 =	simm.s32 @!p0 $0x320;
	s6 =	simm.s32 @!p0 $0x68;
	[sflag:s0] =	ssyncset.done @!p0 $0x0  }
0x4d: {  	s7 =	simm.s32 @!p0 $0x6400;
	[sflag:s0] =	ssyncadd.s32 @!p0 $0xFFFFE600;
	s0 =	simm.s32 @!p0 $0xA  }
0x4e: {  	[tilespmem:s7], [sflag:$0x1] =	stream.indirect.gather @!p0 [hbm4b:s3+s6], $0x40, s5, s6, $0xb8;
	[tilespmem:$0x13400] =	vst v63  }
0x4f: {  	_ =	swait.ge @!p0 [sflag:s0], $0x1800  }
0x50: {  	s8 =	simm.s32 @!p0 $0x7E00;
	s5 =	simm.s32 @!p0 $0x388;
	[sflag:s0] =	ssyncset.done @!p0 $0x0  }
0x51: {  	s7 =	simm.s32 @!p0 $0x60;
	[sflag:s0] =	ssyncadd.s32 @!p0 $0xFFFFE800;
	s0 =	simm.s32 @!p0 $0xB  }
0x52: {  	[tilespmem:s8], [sflag:$0x2] =	stream.indirect.gather @!p0 [hbm4b:s3+s7], $0x40, s5, s7, $0xb8;
	[tilespmem:$0x13400] =	vst v63  }
0x53: {  	_ =	swait.ge @!p0 [sflag:s0], $0x1A00  }
0x54: {  	s5 =	simm.s32 @!p0 $0x3E8;
	[sflag:s0] =	ssyncset.done @!p0 $0x0  }
0x55: {  	s8 =	simm.s32 @!p0 $0x9800;
	[sflag:s0] =	ssyncadd.s32 @!p0 $0xFFFFE600;
	s0 =	simm.s32 @!p0 $0xC  }
0x56: {  	[tilespmem:s8], [sflag:$0x3] =	stream.indirect.gather @!p0 [hbm4b:s3+s6], $0x40, s5, s6, $0xb8;
	[tilespmem:$0x13400] =	vst v63  }
0x57: {  	_ =	swait.ge @!p0 [sflag:s0], $0x1800  }
0x58: {  	[sflag:s0] =	ssyncset.done @!p0 $0x0  }
0x59: {  	s5 =	simm.s32 @!p0 $0x450;
	s6 =	simm.s32 @!p0 $0xB200;
	[sflag:s0] =	ssyncadd.s32 @!p0 $0xFFFFE800  }
0x5a: {  	[tilespmem:s6], [sflag:$0x4] =	stream.indirect.gather @!p0 [hbm4b:s3+s7], $0x40, s5, s7, $0xb8;
	[tilespmem:$0x13400] =	vst v63  }
0x5b: {  	_ =	swait.ge [sflag:s23], $0x1A00  }
0x5c: {  	s30 =	simm.s32 $0x1900;
	[sflag:s23] =	ssyncset.done $0x0  }
0x5d: {  	s12 =	sadd.s32 $0x1900, s4;
	s11 =	rddreg [dreg:$0x8];
	[sflag:s23] =	ssyncadd.s32 $0xFFFFE600  }
0x5e: {  	[hbm4b:s12+s18] =	stream.strided.scatter [tilespmem:s11], [sflag:$0xD], $0x1A00, s19, s18, $0x38;
	[tilespmem:$0x13400] =	vst v63  }
0x5f: {  	s4 =	sadd.s32 $0x2580, s4;
	s6 =	simm.s32 $0xC80;
	_ =	swait.ge [sflag:s24], $0x1800  }
0x60: {  	p0 =	por $0x1, $0x1;
	s13 =	rddreg [dreg:$0x7];
	[sflag:s24] =	ssyncset.done $0x0  }
0x61: {  	s14 =	rddreg [dreg:$0x9];
	[sflag:s24] =	ssyncadd.s32 $0xFFFFE800;
	s0 =	sadd.s32 s1, s13  }
0x62: {  	[hbm4b:s0+s18] =	stream.strided.scatter [tilespmem:s14], [sflag:$0xE], $0x1800, s19, s18, $0x38;
	[tilespmem:$0x13400] =	vst v63  }
0x63: {  	s31 =	simm.s32 @p0 $0x518;
	s29 =	simm.s32 @p0 $0x578;
	_ =	swait.ge [sflag:s25], $0x1A00  }
0x64: {  	s8 =	simm.s32 @!p0 $0x4B0;
	s28 =	simm.s32 @!p0 $0x518;
	[sflag:s25] =	ssyncset.done $0x0  }
0x65: {  	s7 =	simm.s32 @!p0 $0x578;
	s15 =	rddreg [dreg:$0xa];
	[sflag:s25] =	ssyncadd.s32 $0xFFFFE600  }
0x66: {  	[hbm4b:s4+s18] =	stream.strided.scatter [tilespmem:s15], [sflag:$0xF], $0x1A00, s19, s18, $0x38;
	[tilespmem:$0x13400] =	vst v63  }
0x67: {  	s0 =	simm.s32 @p0 $0x4B0;
	p0 =	por p0, p0;
	_ =	swait.ge [sflag:s26], $0x1800  }
0x68: {  	s5 =	sadd.s32 $0x3200, s1;
	s14 =	simm.s32 @p0 $0xD;
	[sflag:s26] =	ssyncset.done $0x0  }
0x69: {  	s4 =	smov.u32 s1;
	s12 =	rddreg [dreg:$0x6];
	[sflag:s26] =	ssyncadd.s32 $0xFFFFE800  }
.LBB2_2:
0x6a: {  	s1 =	sadd.s32 s4, s12  }
0x6b: {  	[hbm4b:s1+s18] =	stream.strided.scatter [tilespmem:s16], [sflag:$0x10], $0x1800, s19, s18, $0x38;
	[tilespmem:$0x13400] =	vst v63  }
0x6c: {  	_ =	swait.ge @p0 [sflag:s14], $0x1A00  }
0x6d: {  	s10 =	simm.s32 @p0 $0xE;
	[sflag:s14] =	ssyncset.done @p0 $0x0  }
0x6e: {  	s11 =	simm.s32 @p0 $0xCC00;
	[sflag:s14] =	ssyncadd.s32 @p0 $0xFFFFE600;
	s14 =	simm.s32 @p0 $0x68  }
0x6f: {  	[tilespmem:s11], [sflag:$0x5] =	stream.indirect.gather @p0 [hbm4b:s3+s14], $0x40, s0, s14, $0xb8;
	[tilespmem:$0x13400] =	vst v63  }
0x70: {  	p2 =	sne.s32 s30, $0x0;
	s12 =	smov.u32 s30;
	_ =	swait.ge @p0 [sflag:s10], $0x1800  }
0x71: {  	s15 =	simm.s32 @p0 $0xF;
	s1 =	sshra.s32 @p2 s12, $0x2;
	[sflag:s10] =	ssyncset.done @p0 $0x0  }
0x72: {  	s0 =	simm.s32 @p0 $0x60;
	[sflag:s10] =	ssyncadd.s32 @p0 $0xFFFFE800;
	s10 =	simm.s32 @p0 $0xE600  }
0x73: {  	[tilespmem:s10], [sflag:$0x6] =	stream.indirect.gather @p0 [hbm4b:s3+s0], $0x40, s31, s0, $0xb8;
	[tilespmem:$0x13400] =	vst v63  }
0x74: {  	s9 =	sadd.s32 @p2 $0x190, s1;
	_ =	swait.ge @p0 [sflag:s15], $0x1A00  }
0x75: {  	s0 =	smov.u32 s9;
	[sflag:s15] =	ssyncset.done @p0 $0x0  }
0x76: {  	s9 =	simm.s32 @p0 $0x10000;
	[sflag:s15] =	ssyncadd.s32 @p0 $0xFFFFE600;
	s15 =	simm.s32 @p0 $0x10  }
0x77: {  	[tilespmem:s9], [sflag:$0x7] =	stream.indirect.gather @p0 [hbm4b:s3+s14], $0x40, s29, s14, $0xb8;
	[tilespmem:$0x13400] =	vst v63  }
0x78: {  	s11 =	sadd.s32 @p2 $0x1F8, s1;
	s1 =	sadd.s32 @p2 $0x258, s1;
	_ =	swait.ge @p0 [sflag:s15], $0x1800  }
0x79: {  	s2 =	sshra.s32 @!p2 s12, $0x2;
	s29 =	smov.u32 s1;
	[sflag:s15] =	ssyncset.done @p0 $0x0  }
0x7a: {  	s1 =	simm.s32 @!p0 $0x68;
	s9 =	simm.s32 @!p0 $0xCC00;
	[sflag:s15] =	ssyncadd.s32 @p0 $0xFFFFE800  }
0x7b: {  	[tilespmem:s9], [sflag:$0x5] =	stream.indirect.gather @!p0 [hbm4b:s3+s1], $0x40, s8, s1, $0xb8;
	[tilespmem:$0x13400] =	vst v63  }
0x7c: {  	s31 =	smov.u32 s11;
	s11 =	simm.s32 @!p0 $0xE600;
	s9 =	simm.s32 @!p0 $0x60  }
0x7d: {  	[tilespmem:s11], [sflag:$0x6] =	stream.indirect.gather @!p0 [hbm4b:s3+s9], $0x40, s28, s9, $0xb8;
	[tilespmem:$0x13400] =	vst v63  }
0x7e: {  	s13 =	sadd.s32 @!p2 $0x190, s2;
	s15 =	sshra.s32 s6, $0x2;
	s9 =	simm.s32 @!p0 $0x10000  }
0x7f: {  	[tilespmem:s9], [sflag:$0x7] =	stream.indirect.gather @!p0 [hbm4b:s3+s1], $0x40, s7, s1, $0xb8;
	[tilespmem:$0x13400] =	vst v63  }
0x80: {  	s8 =	smov.u32 s13;
	s13 =	simm.s32 $0x60;
	s11 =	sadd.s32 $0x2C0, s15  }
0x81: {  	[tilespmem:s16], [sflag:$0x8] =	stream.indirect.gather [hbm4b:s3+s13], $0x40, s11, s13, $0xb8;
	[tilespmem:$0x13400] =	vst v63  }
0x82: {  	_ =	swait.ge [sflag:s17], $0x1A00  }
0x83: {  	s14 =	rddreg [dreg:$0x4];
	[sflag:s17] =	ssyncset.done $0x0  }
0x84: {  	s15 =	simm.s32 $0x6400;
	[sflag:s17] =	ssyncadd.s32 $0xFFFFE600;
	s14 =	sadd.s32 s5, s14  }
0x85: {  	[hbm4b:s14+s18] =	stream.strided.scatter [tilespmem:s15], [sflag:$0x9], $0x1A00, s19, s18, $0x38;
	[tilespmem:$0x13400] =	vst v63  }
0x86: {  	s10 =	sadd.s32 @!p2 $0x1F8, s2;
	s2 =	sadd.s32 @!p2 $0x258, s2;
	_ =	swait.ge [sflag:s20], $0x1800  }
0x87: {  	s7 =	smov.u32 s2;
	s2 =	rddreg [dreg:$0x5];
	[sflag:s20] =	ssyncset.done $0x0  }
0x88: {  	s9 =	simm.s32 $0x7E00;
	[sflag:s20] =	ssyncadd.s32 $0xFFFFE800;
	s1 =	sadd.s32 s5, s2  }
0x89: {  	[hbm4b:s1+s18] =	stream.strided.scatter [tilespmem:s9], [sflag:$0xA], $0x1800, s19, s18, $0x38;
	[tilespmem:$0x13400] =	vst v63  }
0x8a: {  	_ =	swait.ge [sflag:s21], $0x1A00  }
0x8b: {  	s28 =	smov.u32 s10;
	[sflag:s21] =	ssyncset.done $0x0  }
0x8c: {  	s11 =	simm.s32 $0x9800;
	s10 =	sadd.s32 $0xC80, s14;
	[sflag:s21] =	ssyncadd.s32 $0xFFFFE600  }
0x8d: {  	[hbm4b:s10+s18] =	stream.strided.scatter [tilespmem:s11], [sflag:$0xB], $0x1A00, s19, s18, $0x38;
	[tilespmem:$0x13400] =	vst v63  }
0x8e: {  	p0 =	por p2, p2;
	_ =	swait.ge [sflag:s22], $0x1800  }
0x8f: {  	p2 =	seq.s32 s6, $0x18380;
	s13 =	rddreg [dreg:$0x3];
	[sflag:s22] =	ssyncset.done $0x0  }
0x90: {  	s15 =	simm.s32 $0xB200;
	[sflag:s22] =	ssyncadd.s32 $0xFFFFE800;
	s1 =	sadd.s32 s5, s13  }
0x91: {  	[hbm4b:s1+s18] =	stream.strided.scatter [tilespmem:s15], [sflag:$0xC], $0x1800, s19, s18, $0x38;
	[tilespmem:$0x13400] =	vst v63  }
0x92: {  	s1 =	simm.s32 @!p2 $0x9  }
0x93: {  	s2 =	sshra.s32 @!p2 s6, $0x2;
	s6 =	smov.u32 s12;
	_ =	swait.ge @!p2 [sflag:s1], $0x1A00  }
0x94: {  	s12 =	simm.s32 @!p2 $0x6400;
	s9 =	sadd.s32 @!p2 $0x320, s2;
	[sflag:s1] =	ssyncset.done @!p2 $0x0  }
0x95: {  	s11 =	simm.s32 @!p2 $0x68;
	[sflag:s1] =	ssyncadd.s32 @!p2 $0xFFFFE600;
	s1 =	simm.s32 @!p2 $0xA  }
0x96: {  	[tilespmem:s12], [sflag:$0x1] =	stream.indirect.gather @!p2 [hbm4b:s3+s11], $0x40, s9, s11, $0xb8;
	[tilespmem:$0x13400] =	vst v63  }
0x97: {  	_ =	swait.ge @!p2 [sflag:s1], $0x1800  }
0x98: {  	s10 =	sadd.s32 @!p2 $0x388, s2;
	s9 =	simm.s32 @!p2 $0x60;
	[sflag:s1] =	ssyncset.done @!p2 $0x0  }
0x99: {  	s12 =	simm.s32 @!p2 $0x7E00;
	[sflag:s1] =	ssyncadd.s32 @!p2 $0xFFFFE800;
	s1 =	simm.s32 @!p2 $0xB  }
0x9a: {  	[tilespmem:s12], [sflag:$0x2] =	stream.indirect.gather @!p2 [hbm4b:s3+s9], $0x40, s10, s9, $0xb8;
	[tilespmem:$0x13400] =	vst v63  }
0x9b: {  	_ =	swait.ge @!p2 [sflag:s1], $0x1A00  }
0x9c: {  	s13 =	sadd.s32 @!p2 $0x3E8, s2;
	[sflag:s1] =	ssyncset.done @!p2 $0x0  }
0x9d: {  	s10 =	simm.s32 @!p2 $0x9800;
	[sflag:s1] =	ssyncadd.s32 @!p2 $0xFFFFE600;
	s1 =	simm.s32 @!p2 $0xC  }
0x9e: {  	[tilespmem:s10], [sflag:$0x3] =	stream.indirect.gather @!p2 [hbm4b:s3+s11], $0x40, s13, s11, $0xb8;
	[tilespmem:$0x13400] =	vst v63  }
0x9f: {  	_ =	swait.ge @!p2 [sflag:s1], $0x1800  }
0xa0: {  	[sflag:s1] =	ssyncset.done @!p2 $0x0  }
0xa1: {  	s2 =	sadd.s32 @!p2 $0x450, s2;
	s10 =	simm.s32 @!p2 $0xB200;
	[sflag:s1] =	ssyncadd.s32 @!p2 $0xFFFFE800  }
0xa2: {  	[tilespmem:s10], [sflag:$0x4] =	stream.indirect.gather @!p2 [hbm4b:s3+s9], $0x40, s2, s9, $0xb8;
	[tilespmem:$0x13400] =	vst v63  }
0xa3: {  	_ =	swait.ge [sflag:s23], $0x1A00  }
0xa4: {  	[sflag:s23] =	ssyncset.done $0x0  }
0xa5: {  	s10 =	sadd.s32 $0x1900, s14;
	s9 =	rddreg [dreg:$0x8];
	[sflag:s23] =	ssyncadd.s32 $0xFFFFE600  }
0xa6: {  	[hbm4b:s10+s18] =	stream.strided.scatter [tilespmem:s9], [sflag:$0xD], $0x1A00, s19, s18, $0x38;
	[tilespmem:$0x13400] =	vst v63  }
0xa7: {  	_ =	swait.ge [sflag:s24], $0x1800  }
0xa8: {  	s11 =	rddreg [dreg:$0x7];
	[sflag:s24] =	ssyncset.done $0x0  }
0xa9: {  	s12 =	rddreg [dreg:$0x9];
	[sflag:s24] =	ssyncadd.s32 $0xFFFFE800;
	s1 =	sadd.s32 s5, s11  }
0xaa: {  	[hbm4b:s1+s18] =	stream.strided.scatter [tilespmem:s12], [sflag:$0xE], $0x1800, s19, s18, $0x38;
	[tilespmem:$0x13400] =	vst v63  }
0xab: {  	s30 =	sadd.s32 $0xC80, s30;
	_ =	swait.ge [sflag:s25], $0x1A00  }
0xac: {  	p1 =	sne.s32 s30, $0x19000;
	s15 =	sadd.s32 $0x2580, s14;
	[sflag:s25] =	ssyncset.done $0x0  }
.Ltmp0:
0xad: {  	s13 =	rddreg [dreg:$0xa];
	[sflag:s25] =	ssyncadd.s32 $0xFFFFE600;
	(pc) =	sbr.rel @p1 .LBB2_2-.Ltmp0, $4  }
0xae: {  	[hbm4b:s15+s18] =	stream.strided.scatter [tilespmem:s13], [sflag:$0xF], $0x1A00, s19, s18, $0x38;
	[tilespmem:$0x13400] =	vst v63  }
0xaf: {  	_ =	swait.ge [sflag:s26], $0x1800  }
0xb0: {  	s4 =	smov.u32 s5;
	s14 =	simm.s32 @p0 $0xD;
	[sflag:s26] =	ssyncset.done $0x0  }
0xb1: {  	s5 =	sadd.s32 $0x3200, s5;
	s12 =	rddreg [dreg:$0x6];
	[sflag:s26] =	ssyncadd.s32 $0xFFFFE800  }
0xb2: {  	s1 =	sadd.s32 s4, s12  }
0xb3: {  	[hbm4b:s1+s18] =	stream.strided.scatter [tilespmem:s16], [sflag:$0x10], $0x1800, s19, s18, $0x38;
	[tilespmem:$0x13400] =	vst v63  }
0xb4: {  	_ =	swait.ge @p0 [sflag:s14], $0x1A00  }
0xb5: {  	[sflag:s14] =	ssyncset.done @p0 $0x0  }
0xb6: {  	s2 =	simm.s32 @p0 $0xCC00;
	s1 =	simm.s32 @p0 $0x68;
	[sflag:s14] =	ssyncadd.s32 @p0 $0xFFFFE600  }
0xb7: {  	[tilespmem:s2], [sflag:$0x5] =	stream.indirect.gather @p0 [hbm4b:s3+s1], $0x40, s0, s1, $0xb8;
	[tilespmem:$0x13400] =	vst v63  }
0xb8: {  	s0 =	simm.s32 @p0 $0xE  }
0xb9: {  	_ =	swait.ge @p0 [sflag:s0], $0x1800  }
0xba: {  	[sflag:s0] =	ssyncset.done @p0 $0x0  }
0xbb: {  	s2 =	simm.s32 @p0 $0xE600;
	[sflag:s0] =	ssyncadd.s32 @p0 $0xFFFFE800;
	s0 =	simm.s32 @p0 $0x60  }
0xbc: {  	[tilespmem:s2], [sflag:$0x6] =	stream.indirect.gather @p0 [hbm4b:s3+s0], $0x40, s31, s0, $0xb8;
	[tilespmem:$0x13400] =	vst v63  }
0xbd: {  	s0 =	simm.s32 @p0 $0xF  }
0xbe: {  	_ =	swait.ge @p0 [sflag:s0], $0x1A00  }
0xbf: {  	[sflag:s0] =	ssyncset.done @p0 $0x0  }
0xc0: {  	[sflag:s0] =	ssyncadd.s32 @p0 $0xFFFFE600;
	s0 =	simm.s32 @p0 $0x10000  }
0xc1: {  	[tilespmem:s0], [sflag:$0x7] =	stream.indirect.gather @p0 [hbm4b:s3+s1], $0x40, s29, s1, $0xb8;
	[tilespmem:$0x13400] =	vst v63  }
0xc2: {  	s0 =	simm.s32 @p0 $0x10  }
0xc3: {  	_ =	swait.ge @p0 [sflag:s0], $0x1800  }
0xc4: {  	[sflag:s0] =	ssyncset.done @p0 $0x0  }
0xc5: {  	s1 =	simm.s32 @!p0 $0xCC00;
	[sflag:s0] =	ssyncadd.s32 @p0 $0xFFFFE800;
	s0 =	simm.s32 @!p0 $0x68  }
0xc6: {  	[tilespmem:s1], [sflag:$0x5] =	stream.indirect.gather @!p0 [hbm4b:s3+s0], $0x40, s8, s0, $0xb8;
	[tilespmem:$0x13400] =	vst v63  }
0xc7: {  	s2 =	simm.s32 @!p0 $0xE600;
	s1 =	simm.s32 @!p0 $0x60  }
0xc8: {  	[tilespmem:s2], [sflag:$0x6] =	stream.indirect.gather @!p0 [hbm4b:s3+s1], $0x40, s28, s1, $0xb8;
	[tilespmem:$0x13400] =	vst v63  }
0xc9: {  	s9 =	sshra.s32 s6, $0x2;
	s1 =	simm.s32 @!p0 $0x10000  }
0xca: {  	[tilespmem:s1], [sflag:$0x7] =	stream.indirect.gather @!p0 [hbm4b:s3+s0], $0x40, s7, s0, $0xb8;
	[tilespmem:$0x13400] =	vst v63  }
0xcb: {  	s11 =	simm.s32 $0x60;
	s10 =	sadd.s32 $0x2C0, s9  }
0xcc: {  	[tilespmem:s16], [sflag:$0x8] =	stream.indirect.gather [hbm4b:s3+s11], $0x40, s10, s11, $0xb8;
	[tilespmem:$0x13400] =	vst v63  }
0xcd: {  	_ =	swait.ge [sflag:s17], $0x1A00  }
0xce: {  	s12 =	rddreg [dreg:$0x4];
	[sflag:s17] =	ssyncset.done $0x0  }
0xcf: {  	s13 =	simm.s32 $0x6400;
	[sflag:s17] =	ssyncadd.s32 $0xFFFFE600;
	s0 =	sadd.s32 s5, s12  }
0xd0: {  	[hbm4b:s0+s18] =	stream.strided.scatter [tilespmem:s13], [sflag:$0x9], $0x1A00, s19, s18, $0x38;
	[tilespmem:$0x13400] =	vst v63  }
0xd1: {  	_ =	swait.ge [sflag:s20], $0x1800  }
0xd2: {  	s14 =	rddreg [dreg:$0x5];
	[sflag:s20] =	ssyncset.done $0x0  }
0xd3: {  	s15 =	simm.s32 $0x7E00;
	[sflag:s20] =	ssyncadd.s32 $0xFFFFE800;
	s1 =	sadd.s32 s5, s14  }
0xd4: {  	[hbm4b:s1+s18] =	stream.strided.scatter [tilespmem:s15], [sflag:$0xA], $0x1800, s19, s18, $0x38;
	[tilespmem:$0x13400] =	vst v63  }
0xd5: {  	_ =	swait.ge [sflag:s21], $0x1A00  }
0xd6: {  	[sflag:s21] =	ssyncset.done $0x0  }
0xd7: {  	s29 =	simm.s32 $0x9800;
	s28 =	sadd.s32 $0xC80, s0;
	[sflag:s21] =	ssyncadd.s32 $0xFFFFE600  }
0xd8: {  	[hbm4b:s28+s18] =	stream.strided.scatter [tilespmem:s29], [sflag:$0xB], $0x1A00, s19, s18, $0x38;
	[tilespmem:$0x13400] =	vst v63  }
0xd9: {  	_ =	swait.ge [sflag:s22], $0x1800  }
0xda: {  	s31 =	simm.s32 $0xB200;
	s30 =	rddreg [dreg:$0x3];
	[sflag:s22] =	ssyncset.done $0x0  }
0xdb: {  	p0 =	seq.s32 s6, $0x18380;
	[sflag:s22] =	ssyncadd.s32 $0xFFFFE800;
	s1 =	sadd.s32 s5, s30  }
0xdc: {  	[hbm4b:s1+s18] =	stream.strided.scatter [tilespmem:s31], [sflag:$0xC], $0x1800, s19, s18, $0x38;
	[tilespmem:$0x13400] =	vst v63  }
0xdd: {  	s1 =	simm.s32 @!p0 $0x9  }
0xde: {  	s2 =	sshra.s32 @!p0 s6, $0x2;
	_ =	swait.ge @!p0 [sflag:s1], $0x1A00  }
0xdf: {  	s6 =	simm.s32 @!p0 $0x68;
	s7 =	simm.s32 @!p0 $0x6400;
	[sflag:s1] =	ssyncset.done @!p0 $0x0  }
0xe0: {  	s4 =	sadd.s32 @!p0 $0x320, s2;
	[sflag:s1] =	ssyncadd.s32 @!p0 $0xFFFFE600;
	s1 =	simm.s32 @!p0 $0xA  }
0xe1: {  	[tilespmem:s7], [sflag:$0x1] =	stream.indirect.gather @!p0 [hbm4b:s3+s6], $0x40, s4, s6, $0xb8;
	[tilespmem:$0x13400] =	vst v63  }
0xe2: {  	_ =	swait.ge @!p0 [sflag:s1], $0x1800  }
0xe3: {  	s4 =	sadd.s32 @!p0 $0x388, s2;
	[sflag:s1] =	ssyncset.done @!p0 $0x0  }
0xe4: {  	s7 =	simm.s32 @!p0 $0x60;
	[sflag:s1] =	ssyncadd.s32 @!p0 $0xFFFFE800;
	s1 =	simm.s32 @!p0 $0x7E00  }
0xe5: {  	[tilespmem:s1], [sflag:$0x2] =	stream.indirect.gather @!p0 [hbm4b:s3+s7], $0x40, s4, s7, $0xb8;
	[tilespmem:$0x13400] =	vst v63  }
0xe6: {  	s1 =	simm.s32 @!p0 $0xB  }
0xe7: {  	_ =	swait.ge @!p0 [sflag:s1], $0x1A00  }
0xe8: {  	[sflag:s1] =	ssyncset.done @!p0 $0x0  }
0xe9: {  	s4 =	sadd.s32 @!p0 $0x3E8, s2;
	[sflag:s1] =	ssyncadd.s32 @!p0 $0xFFFFE600;
	s1 =	simm.s32 @!p0 $0x9800  }
0xea: {  	[tilespmem:s1], [sflag:$0x3] =	stream.indirect.gather @!p0 [hbm4b:s3+s6], $0x40, s4, s6, $0xb8;
	[tilespmem:$0x13400] =	vst v63  }
0xeb: {  	s1 =	simm.s32 @!p0 $0xC  }
0xec: {  	_ =	swait.ge @!p0 [sflag:s1], $0x1800  }
0xed: {  	[sflag:s1] =	ssyncset.done @!p0 $0x0  }
0xee: {  	s2 =	sadd.s32 @!p0 $0x450, s2;
	[sflag:s1] =	ssyncadd.s32 @!p0 $0xFFFFE800;
	s1 =	simm.s32 @!p0 $0xB200  }
0xef: {  	[tilespmem:s1], [sflag:$0x4] =	stream.indirect.gather @!p0 [hbm4b:s3+s7], $0x40, s2, s7, $0xb8;
	[tilespmem:$0x13400] =	vst v63  }
0xf0: {  	_ =	swait.ge [sflag:s23], $0x1A00  }
0xf1: {  	[sflag:s23] =	ssyncset.done $0x0  }
0xf2: {  	s4 =	sadd.s32 $0x1900, s0;
	s2 =	rddreg [dreg:$0x8];
	[sflag:s23] =	ssyncadd.s32 $0xFFFFE600  }
0xf3: {  	[hbm4b:s4+s18] =	stream.strided.scatter [tilespmem:s2], [sflag:$0xD], $0x1A00, s19, s18, $0x38;
	[tilespmem:$0x13400] =	vst v63  }
0xf4: {  	_ =	swait.ge [sflag:s24], $0x1800  }
0xf5: {  	s6 =	rddreg [dreg:$0x7];
	[sflag:s24] =	ssyncset.done $0x0  }
0xf6: {  	s7 =	rddreg [dreg:$0x9];
	[sflag:s24] =	ssyncadd.s32 $0xFFFFE800;
	s1 =	sadd.s32 s5, s6  }
0xf7: {  	[hbm4b:s1+s18] =	stream.strided.scatter [tilespmem:s7], [sflag:$0xE], $0x1800, s19, s18, $0x38;
	[tilespmem:$0x13400] =	vst v63  }
0xf8: {  	_ =	swait.ge [sflag:s25], $0x1A00  }
0xf9: {  	[sflag:s25] =	ssyncset.done $0x0  }
0xfa: {  	s0 =	sadd.s32 $0x2580, s0;
	s8 =	rddreg [dreg:$0xa];
	[sflag:s25] =	ssyncadd.s32 $0xFFFFE600  }
0xfb: {  	[hbm4b:s0+s18] =	stream.strided.scatter [tilespmem:s8], [sflag:$0xF], $0x1A00, s19, s18, $0x38;
	[tilespmem:$0x13400] =	vst v63  }
0xfc: {  	_ =	swait.ge [sflag:s26], $0x1800  }
0xfd: {  	s9 =	rddreg [dreg:$0x6];
	[sflag:s26] =	ssyncset.done $0x0  }
0xfe: {  	s10 =	simm.s32 $0x9;
	s0 =	sadd.s32 s5, s9;
	[sflag:s26] =	ssyncadd.s32 $0xFFFFE800  }
0xff: {  	[hbm4b:s0+s18] =	stream.strided.scatter [tilespmem:s16], [sflag:$0x10], $0x1800, s19, s18, $0x38;
	[tilespmem:$0x13400] =	vst v63  }
0x100: {  	_ =	swait.ge [sflag:s10], $0x1A00  }
0x101: {  	[sflag:s10] =	ssyncset.done $0x0  }
0x102: {  	s11 =	simm.s32 $0xD;
	[sflag:s10] =	ssyncadd.s32 $0xFFFFE600  }
0x103: {  	_ =	swait.ge [sflag:s11], $0x1A00  }
0x104: {  	[sflag:s11] =	ssyncset.done $0x0  }
0x105: {  	s12 =	simm.s32 $0xA;
	[sflag:s11] =	ssyncadd.s32 $0xFFFFE600  }
0x106: {  	_ =	swait.ge [sflag:s12], $0x1800  }
0x107: {  	[sflag:s12] =	ssyncset.done $0x0  }
0x108: {  	s13 =	simm.s32 $0xE;
	[sflag:s12] =	ssyncadd.s32 $0xFFFFE800  }
0x109: {  	_ =	swait.ge [sflag:s13], $0x1800  }
0x10a: {  	[sflag:s13] =	ssyncset.done $0x0  }
0x10b: {  	s14 =	simm.s32 $0xB;
	[sflag:s13] =	ssyncadd.s32 $0xFFFFE800  }
0x10c: {  	_ =	swait.ge [sflag:s14], $0x1A00  }
0x10d: {  	[sflag:s14] =	ssyncset.done $0x0  }
0x10e: {  	s15 =	simm.s32 $0xF;
	[sflag:s14] =	ssyncadd.s32 $0xFFFFE600  }
0x10f: {  	_ =	swait.ge [sflag:s15], $0x1A00  }
0x110: {  	[sflag:s15] =	ssyncset.done $0x0  }
0x111: {  	s28 =	simm.s32 $0xC;
	[sflag:s15] =	ssyncadd.s32 $0xFFFFE600  }
0x112: {  	_ =	swait.ge [sflag:s28], $0x1800  }
0x113: {  	[sflag:s28] =	ssyncset.done $0x0  }
0x114: {  	s29 =	simm.s32 $0x10;
	[sflag:s28] =	ssyncadd.s32 $0xFFFFE800  }
0x115: {  	_ =	swait.ge [sflag:s29], $0x1800  }
0x116: {  	s30 =	rddreg [dreg:$0xe]  }
0x117: {  	s31 =	rddreg [dreg:$0xd];
	s2 =	sadd.s32 $0x1, s30  }
0x118: {  	p0 =	sne.s32 s2, s31  }
.Ltmp1:
0x119: {  	_ = 	snop;
	(pc) =	sbr.rel @p0 .LBB2_1-.Ltmp1, $3  }
0x11a: {  	_ =	sdelay $0x1  }
0x11b: {  	[sflag:s29] =	ssyncset.done $0x0  }
0x11c: {  	[sflag:s29] =	ssyncadd.s32 $0xFFFFE800  }
0x11d: {  	_ =	sfence.sel $0x180000  }
0x11e: {  	[bflag:$0x0] =	sbarrier.arrive $0xFFFF  }
0x11f: {  	_ =	strace $0x90000047  }
0x120: {  	s0 =	stileid.u32;
	[bflag:$0x2] =	sbarrier.arrive $0xFFFF  }
0x121: {  	p0 =	sne.s32 s0, $0x0;
	s0 =	rddreg [dreg:$0x2]  }
0x122: {  	s0 =	sadd.s32 @!p0 $0x100000, s0  }
0x123: {  	[sflag:s0] =	ssyncadd.tile.s32 @!p0 $0x1;
	_ =	shalt  }
.Lfunc_end2:
_tile_overlayer_lowered:
.L_overlay_start_2:
0x124: {  	(tag) =	ssettag $0x2  }
0x125: {  	s0 =	rddreg [dreg:$0x0];
	s2 =	stileid.u32  }
0x126: {  	s1 =	rddreg [dreg:$0x1];
	p0 =	sne.s32 s2, $0x0  }
0x127: {  	s3 =	rddreg [dreg:$0x2];
	[bflag:$0x3] =	sbarrier.arrive $0xFFFF;
	s2 =	simm.s32 @!p0 $0x1C11  }
0x128: {  	[timem:s3], [sflag:s2] =	dma.local @!p0 [hbm:s0], s1  }
0x129: {  	s0 =	simm.s32 @!p0 $0x11  }
0x12a: {  	_ =	swait.ge @!p0 [sflag:s0], s1  }
0x12b: {  	s1 =	ssub.s32 @!p0 $0x0, s1;
	[sflag:s0] =	ssyncset.done @!p0 $0x0  }
0x12c: {  	[sflag:s0] =	ssyncadd.s32 @!p0 s1  }
0x12d: {  	[bflag:$0x3] =	sbarrier.arrive $0xFFFF  }
0x12e: {  	_ =	shalt  }

// kernel: sparse-core-data-format-call.cloned.1.call-start
scs
called_computation_lowered:
.L_overlay_start_0:
0x0: {  	s2 =	sld [smem:$0x3FD9]  }
0x1: {  	s3 =	sld [smem:$0x3FFE];
	_ =	sdelay $0x1  }
0x2: {  	s1 =	srdreg.scid  }
0x3: {  	s0 =	sand.u32 $0x1, s1  }
0x4: {  	s18 =	sshll.u32 s0, $0xA;
	s2 =	sadd.s32 s3, s2  }
0x5: {  	s2 =	sadd.s32 s2, s18  }
0x6: {  	[smem:$0x3FC6] =	sst s2  }
0x7: {  	_ = 	snop  }
0x8: {  	s2 =	sld [smem:$0x3FD0];
	(tm) =	ssettm $0x1  }
0x9: {  	s19 =	sld [smem:$0x3FFB];
	_ =	sdelay $0x3  }
0xa: {  	_ =	strace s19  }
0xb: {  	s3 =	sld [smem:$0x3FFC];
	_ =	sdelay $0x3  }
0xc: {  	_ =	strace s3  }
0xd: {  	s3 =	sld [smem:$0x3FFD];
	_ =	sdelay $0x3  }
0xe: {  	_ =	strace s3  }
0xf: {  	_ =	strace $0x8FFFFFFF  }
0x10: {  	s20 =	sld [smem:$0x3FDB];
	_ =	sdelay $0x1  }
0x11: {  	s4 =	simm.s32 $_scs_section_size  }
0x12: {  	s5 =	simm.s32 $_size__tile_overlayer_lowered;
	s6 =	simm.s32 $_tile_overlayer_lowered  }
0x13: {  	s23 =	simm.s32 $0x1BFF;
	s22 =	sshll.u32 s6, $0x1;
	s3 =	sadd.s32 s4, s20  }
0x14: {  	s7 =	simm.s32 $0x0;
	s21 =	sshll.u32 s5, $0x1;
	s5 =	sadd.s32 s22, s3  }
0x15: {  	[timem:s7], [sflag:s23] =	dma.local [hbm:s5], s21  }
0x16: {  	_ =	swait.ge [sflag:s23], s21  }
0x17: {  	s4 =	ssub.s32 $0x0, s21;
	[sflag:s23] =	ssyncset.done $0x0  }
0x18: {  	[sflag:s23] =	ssyncadd.s32 s4;
	_ =	sdelay $0x1  }
0x19: {  	s24 =	simm.s32 $0x1B8B  }
0x1a: {  	_ =	swait.ge [sflag:s24], $0x1  }
0x1b: {  	[sflag:s24] =	ssyncset.done $0x0  }
0x1c: {  	s26 =	simm.s32 $0x1B8E;
	s25 =	sld [smem:$0x3FFE];
	[sflag:s24] =	ssyncadd.s32 $0xFFFFFFFF  }
0x1d: {  	s27 =	simm.s32 $execute0_lowered;
	[smem:$0x3FD2] =	sst s26  }
0x1e: {  	s5 =	sshll.u32 s27, $0x1;
	_ =	strace $0x80000049;
	[dreg:$0x1] =	wrdreg $0xFFFFFFFF  }
0x1f: {  	s28 =	simm.s32 $_size_execute0_lowered;
	s3 =	sadd.s32 s3, s5;
	[dreg:$0x0] =	wrdreg $0x0  }
0x20: {  	s5 =	sshll.u32 s28, $0x1;
	[dreg:$0x2] =	wrdreg s3  }
0x21: {  	[dreg:$0x3] =	wrdreg s5  }
0x22: {  	[dreg:$0x4] =	wrdreg $0xC0  }
0x23: {  	_ =	task [dreg:s7], $0x5FFFF  }
0x24: {  	[dreg:$0x1] =	wrdreg $0xFFFFFFFF  }
0x25: {  	[dreg:$0x0] =	wrdreg $0x60  }
0x26: {  	[dreg:$0x2] =	wrdreg s25  }
0x27: {  	[dreg:$0x3] =	wrdreg s2  }
0x28: {  	[dreg:$0x4] =	wrdreg $0x9  }
0x29: {  	_ =	task.clear_ibuf [dreg:s7], $0x5FFFF;
	_ =	strace $0x90000049  }
0x2a: {  	s29 =	simm.s32 $0x9;
	_ =	strace $0x8000004B  }
0x2b: {  	_ =	swait.ge [sflag:s29], $0x1  }
0x2c: {  	[sflag:s29] =	ssyncadd.s32 $0xFFFFFFFF  }
0x2d: {  	_ =	strace $0x9000004B  }
0x2e: {  	_ =	sfence  }
0x2f: {  	s30 =	sld [smem:$0x0];
	_ =	sdelay $0x2  }
0x30: {  	s31 =	sshll.u32 s1, $0xD;
	s1 =	sshrl.u32 s1, $0x2  }
0x31: {  	s3 =	sand.u32 $0x4000, s31;
	s1 =	sadd.s32 s1, s30  }
0x32: {  	s0 =	sor.u32 s3, s0;
	s1 =	sshll.u32 s1, $0x11  }
0x33: {  	s0 =	sor.u32 s1, s0  }
0x34: {  	s0 =	sadd.s32 $0x8F2B, s0  }
0x35: {  	[sflag:s0] =	ssyncadd.remote.s32 $0x1  }
0x36: {  	_ =	sfence.sel $0xFFFF  }
0x37: {  	[dreg:$0x0] =	wrdreg $0xFFFFFFFF;
	(pc) =	sbr.abs _section_cstart, $3  }
0x38: {  	[dreg:$0x1] =	wrdreg $0xFFFFFFFF  }
0x39: {  	_ =	task.clear_ibuf [dreg:s7], $0x2FFFF;
	_ =	strace $0x9FFFFFFF  }
0x3a: {  	(tm) =	ssettm $0x7FFFFFFF  }
0x3b: {  	_ =	shalt  }
tec
execute0_lowered:
.L_overlay_start_1:
0x0: {  	(tag) =	ssettag $0x1  }
0x1: {  	s0 =	srdreg.scid  }
0x2: {  	s1 =	sshll.u32 s0, $0x4  }
0x3: {  	s0 =	stileid.u32;
	s1 =	sand.u32 $0x10, s1  }
0x4: {  	s1 =	sor.u32 s0, s1  }
0x5: {  	s6 =	rddreg [dreg:$0x0];
	s4 =	simm.s32 $0x1;
	s2 =	sshll.u32 s1, $0x7  }
0x6: {  	s7 =	simm.s32 $0x2;
	s12 =	simm.s32 $0x0;
	s1 =	ssub.s32 $0x1000, s2  }
0x7: {  	s8 =	simm.s32 $0x8000;
	s13 =	simm.s32 $0x0;
	s3 =	sand.u32 $0xF80, s1  }
0x8: {  	s9 =	simm.s32 $0x0;
	s5 =	sshrl.u32 s1, $0xC;
	p0 =	sne.s32 s3, $0x0  }
.Ltmp0:
0x9: {  	s1 =	rddreg [dreg:$0x2];
	s4 =	simm.s32 @!p0 $0x0;
	(pc) =	sbr.rel .LBB1_1-.Ltmp0, $4  }
0xa: {  	s11 =	simm.s32 $0x0;
	s3 =	rddreg [dreg:$0x1];
	s5 =	sadd.s32 s4, s5  }
0xb: {  	_ =	strace $0x8000004A;
	s4 =	simm.s32 $0x1;
	s5 =	smul.u32 $0xC8, s5  }
0xc: {  	s6 =	sadd.s32 $0xA00, s6;
	s10 =	smov.u32 s2;
	[sflag:s4] =	ssyncpa.u1 $0x0  }
0xd: {  	p0 =	por $0x0, $0x0;
	[sflag:s7] =	ssyncpa.u1 $0x0;
	s7 =	sor.u32 $0x1, s5  }
.LBB1_4:
0xe: {  	s16 =	sshll.u32 s13, $0x3;
	s17 =	sand.u32 $0x78, s13  }
0xf: {  	s30 =	sand.u32 $0x7E00, s13;
	s12 =	sshll.u32 s12, $0xF;
	s16 =	sand.u32 $0xC00, s16  }
0x10: {  	[tilespmem:s15+$0x810 ss:$0x81] =	vst.msk $0xffff, v2;
	s31 =	sand.u32 $0x7, s13;
	s16 =	sor.u32 s17, s16;
	s17 =	sadd.s32 s3, s30  }
0x11: {  	[tilespmem:s15+$0x1020 ss:$0x81] =	vst.msk $0xffff, v0;
	s13 =	sshll.u32 s31, $0x12;
	s12 =	sadd.s32 s12, s17;
	s16 =	sshrl.u32 s16, $0x3  }
0x12: {  	[tilespmem:s15+$0x0 ss:$0x81] =	vst.msk $0xffff, v1;
	s13 =	sor.u32 $0x400, s13;
	s12 =	sadd.s32 s16, s12  }
0x13: {  	[hbm4b:s12+s13] =	stream.strided.scatter [tilespmem:s14], [sflag:$0x2], $0x2000, s8, s13, $0x20;
	[tilespmem:$0x8080] =	vst v63  }
.LBB1_5:
0x14: {  	s14 =	sadd.s32 $0x1, s9  }
0x15: {  	s12 =	sadd.s32 $0x1000, s10;
	s16 =	smov.u32 s10;
	p2 =	sgt.s32 s14, $0xC7  }
0x16: {  	s16 =	smov.u32 @p2 s12  }
0x17: {  	s14 =	simm.s32 @p2 $0x0;
	p2 =	sgt.s32 s16, $0xFFF  }
0x18: {  	s16 =	smov.u32 @p2 s2;
	p2 =	sne.s32 s11, s7  }
.Ltmp1:
0x19: {  	p1 =	slt.u32 s11, $0x2;
	(pc) =	sbr.rel @!p2 .LBB1_6-.Ltmp1, $4  }
0x1a: {  	s15 =	simm.s32 @!p1 $0x2  }
0x1b: {  	s13 =	smov.u32 s10;
	p0 =	por !p0, !p0;
	_ =	swait.ge @!p1 [sflag:s15], $0x2000  }
0x1c: {  	s12 =	smov.u32 s9;
	[sflag:s15] =	ssyncset.done @!p1 $0x0;
	s9 =	smov.u32 s14  }
0x1d: {  	s11 =	sadd.s32 $0x1, s11;
	[sflag:s15] =	ssyncadd.s32 @!p1 $0xFFFFE000;
	s10 =	smov.u32 s16  }
.LBB1_1:
0x1e: {  	p1 =	sge.u32 s11, s5  }
0x1f: {  	s14 =	sand.u32 @!p1 $0x1FFFFFF, s9  }
0x20: {  	s15 =	smulhi.u32 @!p1 $0x147AE15, s14;
	_ =	sdelay $0x1  }
0x21: {  	s15 =	smul.u32 @!p1 $0xC8, s15  }
0x22: {  	s16 =	sxor.u32 @!p1 $0xFFFFFFFF, s11;
	s17 =	smul.u32 @!p1 $0xC80, s10  }
0x23: {  	s31 =	sadd.s32 $0xFFFFFFFF, s11;
	s16 =	sshll.u32 @!p1 s16, $0xD;
	s14 =	ssub.s32 @!p1 s14, s15  }
0x24: {  	s15 =	sand.u32 @!p1 $0x2000, s16;
	s16 =	sadd.s32 @!p1 s6, s17;
	s14 =	sshll.u32 @!p1 s14, $0x4  }
0x25: {  	s17 =	simm.s32 @!p1 $0x6400;
	s14 =	sadd.s32 @!p1 s14, s16;
	s16 =	simm.s32 @!p1 $0x40  }
0x26: {  	[tilespmem:s15], [sflag:$0x1] =	stream.strided.gather @!p1 [hbm4b:s14+s16], $0x2000, s17, s16, $0x38;
	[tilespmem:$0x8080] =	vst v63  }
0x27: {  	p1 =	sge.u32 s31, s5  }
.Ltmp2:
0x28: {  	_ = 	snop;
	(pc) =	sbr.rel @p1 .LBB1_5-.Ltmp2, $1  }
0x29: {  	_ =	sdelay $0x3  }
0x2a: {  	s14 =	simm.s32 $0x1  }
0x2b: {  	_ =	swait.ge [sflag:s4], $0x2000;
	s14 =	simm.s32 @!p0 $0x0  }
0x2c: {  	[sflag:s4] =	ssyncset.done $0x0;
	s15 =	sshll.u32 s14, $0xD  }
0x2d: {  	[sflag:s4] =	ssyncadd.s32 $0xFFFFE000;
	s18 =	sor.u32 $0x20, s15  }
0x2e: {  	s14 =	smul.u32 $0x8100, s14;
	v3 =	vld [tilespmem:s18+$0x10]  }
0x2f: {  	s30 =	sand.u32 $0x1, s11;
	v2 =	vld [tilespmem:s18+$0xFFFFFFF0]  }
0x30: {  	s15 =	smul.u32 $0x8100, s30;
	s14 =	sshrl.u32 s14, $0x2;
	v0 =	vld [tilespmem:s18+$0x0]  }
0x31: {  	v1 =	vld [tilespmem:s18+$0xFFFFFFE0];
	s16 =	sor.u32 $0x4000, s14  }
0x32: {  	s31 =	sshrl.u32 s15, $0x2;
	s15 =	sadd.s32 $0x0, s16  }
0x33: {  	s17 =	simm.s32 $0x4;
	s18 =	sadd.s32 $0x40, s18;
	s14 =	sor.u32 $0x4000, s31;
	[tilespmem:s15+$0x1830 ss:$0x81] =	vst.msk $0xffff, v3  }
.LBB1_3:
0x34: {  	v3 =	vld [tilespmem:s18+$0x10];
	p1 =	sne.s32 s17, $0x1FC;
	[tilespmem:s15+$0x810 ss:$0x81] =	vst.msk $0xffff, v2;
	s19 =	smov.u32 s17;
	s17 =	sadd.s32 $0x4, s17  }
.Ltmp3:
0x35: {  	v2 =	vld [tilespmem:s18+$0xFFFFFFF0];
	[tilespmem:s15+$0x1020 ss:$0x81] =	vst.msk $0xffff, v0;
	(pc) =	sbr.rel @p1 .LBB1_3-.Ltmp3, $4  }
0x36: {  	v0 =	vld [tilespmem:s18+$0x0];
	[tilespmem:s15+$0x0 ss:$0x81] =	vst.msk $0xffff, v1  }
0x37: {  	s15 =	sshra.s32 s19, $0x2;
	v1 =	vld [tilespmem:s18+$0xFFFFFFE0]  }
0x38: {  	s15 =	sadd.s32 s15, s16  }
0x39: {  	s18 =	sadd.s32 $0x40, s18;
	[tilespmem:s15+$0x1830 ss:$0x81] =	vst.msk $0xffff, v3  }
.Ltmp4:
0x3a: {  	_ = 	snop;
	(pc) =	sbr.rel .LBB1_4-.Ltmp4, $1  }
0x3b: {  	_ =	sdelay $0x3  }
.LBB1_6:
0x3c: {  	_ =	sfence.sel $0x180000  }
0x3d: {  	s2 =	simm.s32 $0x1;
	[bflag:$0x0] =	sbarrier.arrive $0xFFFF  }
0x3e: {  	s31 =	simm.s32 $0x2;
	[sflag:s2] =	ssyncpa.u1 $0x1  }
0x3f: {  	[sflag:s31] =	ssyncpa.u1 $0x1  }
0x40: {  	p0 =	sne.s32 s0, $0x0;
	_ =	strace $0x9000004A  }
0x41: {  	s0 =	sadd.s32 @!p0 $0x100000, s1;
	[bflag:$0x2] =	sbarrier.arrive $0xFFFF  }
0x42: {  	[sflag:s0] =	ssyncadd.tile.s32 @!p0 $0x1;
	_ =	shalt  }
.Lfunc_end1:
_tile_overlayer_lowered:
.L_overlay_start_2:
0x43: {  	(tag) =	ssettag $0x2  }
0x44: {  	s0 =	rddreg [dreg:$0x0];
	s2 =	stileid.u32  }
0x45: {  	s1 =	rddreg [dreg:$0x1];
	p0 =	sne.s32 s2, $0x0  }
0x46: {  	s3 =	rddreg [dreg:$0x2];
	[bflag:$0x3] =	sbarrier.arrive $0xFFFF;
	s2 =	simm.s32 @!p0 $0x1C01  }
0x47: {  	[timem:s3], [sflag:s2] =	dma.local @!p0 [hbm:s0], s1  }
0x48: {  	s0 =	simm.s32 @!p0 $0x1  }
0x49: {  	_ =	swait.ge @!p0 [sflag:s0], s1  }
0x4a: {  	s1 =	ssub.s32 @!p0 $0x0, s1;
	[sflag:s0] =	ssyncset.done @!p0 $0x0  }
0x4b: {  	[sflag:s0] =	ssyncadd.s32 @!p0 s1  }
0x4c: {  	[bflag:$0x3] =	sbarrier.arrive $0xFFFF  }
0x4d: {  	_ =	shalt  }

</sc_bundles>
